<compile_context>
chip_gen: v7x
topology: tpu7x:2x2x1
jax: 0.10.2.dev20260603
libtpu: 0.0.44.dev20260713+nightly
codegen_flags: <defaults>
</compile_context>

<pallas_src>
import functools

import jax
import jax.numpy as jnp
from jax import lax
from jax.experimental import pallas as pl
from jax.experimental.pallas import tpu as pltpu
from jax.experimental.pallas import tpu_sc as plsc

EMBED = 64
NC, NS = 2, 16
NW = NC * NS
LANES = 16
PAIRS = 256
SUB = 128


def _shuf(v, idx):
    dnums = lax.GatherDimensionNumbers(
        offset_dims=(), collapsed_slice_dims=(0,), start_index_map=(0,))
    return lax.gather(v, idx[:, None], dnums, (1,),
                      mode=lax.GatherScatterMode.PROMISE_IN_BOUNDS)


def _sc_expand(pair_table, basis_flat, outcome_flat, n_pairs):
    pairs_per_w = n_pairs // NW
    n_chunks = pairs_per_w // PAIRS
    assert n_chunks % 2 == 0
    mesh = plsc.VectorSubcoreMesh(core_axis_name="c", subcore_axis_name="s",
                                  num_cores=NC, num_subcores=NS)

    @functools.partial(
        pl.kernel,
        out_type=jax.ShapeDtypeStruct((n_pairs, 2 * EMBED), jnp.float32),
        mesh=mesh,
        scratch_types=[
            pltpu.VMEM((2 * PAIRS,), jnp.int32),
            pltpu.VMEM((2 * PAIRS,), jnp.int32),
            pltpu.VMEM((PAIRS // SUB, SUB), jnp.int32),
            pltpu.VMEM((PAIRS, 2 * EMBED), jnp.float32),
            pltpu.VMEM((PAIRS, 2 * EMBED), jnp.float32),
            pltpu.VMEM_SHARED((36, 2 * EMBED), jnp.float32),
            pltpu.SemaphoreType.DMA,
            pltpu.SemaphoreType.DMA,
            pltpu.SemaphoreType.DMA,
            pltpu.SemaphoreType.DMA,
        ],
    )
    def k(table_hbm, basis_hbm, outcome_hbm, out_hbm,
          bas_v, ocm_v, pair_v, rows_a, rows_b, table_sh,
          sem_i, sem_g, sem_oa, sem_ob):
        wid = lax.axis_index("s") * NC + lax.axis_index("c")
        base_pair = wid * pairs_per_w
        iota = lax.iota(jnp.int32, LANES)
        idx_e = (iota * 2) & (LANES - 1)
        idx_o = idx_e + 1
        lo_half = iota < (LANES // 2)

        @pl.when(lax.axis_index("s") == 0)
        def _():
            pltpu.sync_copy(table_hbm, table_sh)
        plsc.subcore_barrier()

        def start_idx(g):
            g_safe = jnp.where(g < n_chunks, g, 0)
            r0 = pl.multiple_of((base_pair + g_safe * PAIRS) * 2, 2 * PAIRS)
            pltpu.async_copy(basis_hbm.at[pl.ds(r0, 2 * PAIRS)], bas_v, sem_i)
            pltpu.async_copy(outcome_hbm.at[pl.ds(r0, 2 * PAIRS)], ocm_v,
                             sem_i)

        def wait_idx(q0):
            r0 = pl.multiple_of(q0 * 2, 2 * PAIRS)
            pltpu.make_async_copy(basis_hbm.at[pl.ds(r0, 2 * PAIRS)],
                                  bas_v, sem_i).wait()
            pltpu.make_async_copy(outcome_hbm.at[pl.ds(r0, 2 * PAIRS)],
                                  ocm_v, sem_i).wait()

        def chunk(g, rows_ref, sem_o, pre_wait_out):
            q0 = pl.multiple_of(base_pair + g * PAIRS, PAIRS)
            wait_idx(q0)
            for r in range(PAIRS // SUB):
                def col_body(c, carry):
                    off = pl.multiple_of(
                        (r * (SUB // LANES) + c) * 2 * LANES, LANES)
                    x0 = bas_v[pl.ds(off, LANES)]
                    x1 = bas_v[pl.ds(off + LANES, LANES)]
                    y0 = ocm_v[pl.ds(off, LANES)]
                    y1 = ocm_v[pl.ds(off + LANES, LANES)]
                    c0 = x0 * 2 + y0
                    c1 = x1 * 2 + y1
                    ce = jnp.where(lo_half, _shuf(c0, idx_e), _shuf(c1, idx_e))
                    co = jnp.where(lo_half, _shuf(c0, idx_o), _shuf(c1, idx_o))
                    pair_v[r, pl.ds(c * LANES, LANES)] = ce * 6 + co
                    return carry
                lax.fori_loop(0, SUB // LANES, col_body, 0)
            start_idx(g + 1)
            if pre_wait_out:
                pltpu.make_async_copy(
                    rows_ref, out_hbm.at[pl.ds(q0, PAIRS)], sem_o).wait()
            gathers = [
                pltpu.async_copy(table_sh.at[pair_v.at[r]],
                                 rows_ref.at[pl.ds(r * SUB, SUB)], sem_g)
                for r in range(PAIRS // SUB)
            ]
            for cp in gathers:
                cp.wait()
            pltpu.async_copy(rows_ref, out_hbm.at[pl.ds(q0, PAIRS)], sem_o)

        start_idx(0)
        chunk(0, rows_a, sem_oa, False)
        chunk(1, rows_b, sem_ob, False)

        def loop_body(i, carry):
            chunk(2 * i, rows_a, sem_oa, True)
            chunk(2 * i + 1, rows_b, sem_ob, True)
            return carry

        lax.fori_loop(1, n_chunks // 2, loop_body, 0)

        q_last = pl.multiple_of(base_pair, PAIRS)
        wait_idx(q_last)
        pltpu.make_async_copy(rows_a, out_hbm.at[pl.ds(q_last, PAIRS)],
                              sem_oa).wait()
        pltpu.make_async_copy(rows_b, out_hbm.at[pl.ds(q_last, PAIRS)],
                              sem_ob).wait()

    return k(pair_table, basis_flat, outcome_flat)


def kernel(basis, outcome, basis_table, outcome_table):
    n_rows = basis.shape[0] * basis.shape[1]
    n_pairs = n_rows // 2
    n_comb = basis_table.shape[0] * outcome_table.shape[0]
    comb = (basis_table[:, None, :] + outcome_table[None, :, :]).reshape(
        n_comb, EMBED)
    pair_table = jnp.concatenate(
        [jnp.repeat(comb, n_comb, axis=0), jnp.tile(comb, (n_comb, 1))], axis=1)
    basis_flat = basis.reshape(n_rows).astype(jnp.int32)
    outcome_flat = outcome.reshape(n_rows).astype(jnp.int32)
    out = _sc_expand(pair_table, basis_flat, outcome_flat, n_pairs)
    return out.reshape(basis.shape[0], basis.shape[1], EMBED)

# --- scband reference (transcript-rebuilt; emitter-appended) ---
"""Pipeline reference for scband-measurement-encoder-32057635897531 (READ-ONLY COPY).

The authoritative reference and input builder live on the scoring server;
editing this copy changes nothing except your own understanding.
"""

import jax, jax.numpy as jnp
import numpy as np

EMBED_DIM = 64

def setup_inputs(seed: int = 0) -> dict:
    key = jax.random.key(seed)
    k1, k2, k3, k4 = jax.random.split(key, 4)
    basis = jax.random.randint(k1, (16384, 200), 0, 3, dtype=jnp.int64 if jax.config.jax_enable_x64 else jnp.int32)
    outcome = jax.random.randint(k2, (16384, 200), 0, 2, dtype=jnp.int64 if jax.config.jax_enable_x64 else jnp.int32)
    basis_table = jax.random.normal(k3, (3, EMBED_DIM), dtype=jnp.float32)
    outcome_table = jax.random.normal(k4, (2, EMBED_DIM), dtype=jnp.float32)
    return {"basis": basis, "outcome": outcome, "basis_table": basis_table, "outcome_table": outcome_table}

def reference(basis, outcome, basis_table, outcome_table):
    b_emb = jnp.take(basis_table, basis, axis=0)
    o_emb = jnp.take(outcome_table, outcome, axis=0)
    return b_emb + o_emb

if __name__ == "__main__":
    import jax
    _d = setup_inputs()
    print(jax.jit(kernel)(*tuple(_d.values())))

</pallas_src>

<mosaic_0001>
#map = affine_map<(d0, d1) -> (0, 0)>
#map1 = affine_map<(d0, d1) -> (0)>
module attributes {stable_mosaic.version = 14 : i64} {
  func.func @k(%arg0: i32, %arg1: i32, %arg2: memref<36x128xf32, #tpu.memory_space<hbm>>, %arg3: memref<3276800xi32, #tpu.memory_space<hbm>>, %arg4: memref<3276800xi32, #tpu.memory_space<hbm>>, %arg5: memref<1638400x128xf32, #tpu.memory_space<hbm>>, %arg6: memref<512xi32, #tpu.memory_space<vmem>>, %arg7: memref<512xi32, #tpu.memory_space<vmem>>, %arg8: memref<2x128xi32, #tpu.memory_space<vmem>>, %arg9: memref<256x128xf32, #tpu.memory_space<vmem>>, %arg10: memref<256x128xf32, #tpu.memory_space<vmem>>, %arg11: memref<36x128xf32, #tpu.memory_space<vmem_shared>>, %arg12: memref<!tpu.dma_semaphore, #tpu.memory_space<semaphore_mem>>, %arg13: memref<!tpu.dma_semaphore, #tpu.memory_space<semaphore_mem>>, %arg14: memref<!tpu.dma_semaphore, #tpu.memory_space<semaphore_mem>>, %arg15: memref<!tpu.dma_semaphore, #tpu.memory_space<semaphore_mem>>) attributes {dimension_semantics = [#tpu.dimension_semantics<core_parallel>, #tpu.dimension_semantics<subcore_parallel>], iteration_bounds = array<i64: 2, 16>, scalar_prefetch = 0 : i64, scratch_operands = 10 : i64, tpu.core_type = #tpu.core_type<sc_vector_subcore>, window_params = [{transform_indices = #map}, {transform_indices = #map1}, {transform_indices = #map1}, {transform_indices = #map}]} {
    %mul3A = arith.constant 2 : i32
    %mul3A_0 = arith.muli %arg1, %mul3A : i32
    %add3A = arith.addi %mul3A_0, %arg0 : i32
    %mul3A_1 = arith.constant 51200 : i32
    %mul3A_2 = arith.muli %add3A, %mul3A_1 : i32
    %iota3A = tpu.iota {dimensions = array<i32: 0>} : vector<16xi32>
    %mul3A_3 = arith.constant 2 : i32
    %mul3A_4 = vector.broadcast %mul3A_3 : i32 to vector<16xi32>
    %mul3A_5 = arith.muli %iota3A, %mul3A_4 : vector<16xi32>
    %and3A = arith.constant 15 : i32
    %and3A_6 = vector.broadcast %and3A : i32 to vector<16xi32>
    %and3A_7 = arith.andi %mul3A_5, %and3A_6 : vector<16xi32>
    %add3A_8 = arith.constant 1 : i32
    %add3A_9 = vector.broadcast %add3A_8 : i32 to vector<16xi32>
    %add3A_10 = arith.addi %and3A_7, %add3A_9 : vector<16xi32>
    %lt3A = arith.constant 8 : i32
    %lt3A_11 = vector.broadcast %lt3A : i32 to vector<16xi32>
    %lt3A_12 = arith.cmpi slt, %iota3A, %lt3A_11 : vector<16xi32>
    %eq3A = arith.constant 0 : i32
    %eq3A_13 = arith.cmpi eq, %arg1, %eq3A : i32
    %convert_element_type3A = arith.extui %eq3A_13 : i1 to i32
    %cond3A = arith.constant 0 : i32
    %cond3A_14 = arith.cmpi ne, %convert_element_type3A, %cond3A : i32
    scf.if %cond3A_14 {
      "tpu.region"() ({
        %run_scoped3A = tpu.sem_alloc : memref<!tpu.dma_semaphore, #tpu.memory_space<semaphore_mem>>
        tpu.enqueue_dma source(%arg2 : memref<36x128xf32, #tpu.memory_space<hbm>>) target(%arg11 : memref<36x128xf32, #tpu.memory_space<vmem_shared>>) target_semaphore(%run_scoped3A : memref<!tpu.dma_semaphore, #tpu.memory_space<semaphore_mem>>)
        tpu.wait_dma2 semaphore(%run_scoped3A : memref<!tpu.dma_semaphore, #tpu.memory_space<semaphore_mem>>) src(%arg2 : memref<36x128xf32, #tpu.memory_space<hbm>>) dst(%arg11 : memref<36x128xf32, #tpu.memory_space<vmem_shared>>)
        tpu.yield
      }) : () -> ()
    } else {
    }
    %barrier3A = arith.constant 0 : index
    tpu.barrier barrier_id(%barrier3A)
    %jit3A = arith.constant true
    %jit3A_15 = arith.constant 0 : i32
    %jit3A_16 = arith.constant 0 : i32
    %select_n3A = arith.select %jit3A, %jit3A_15, %jit3A_16 : i32
    %mul3A_17 = arith.constant 256 : i32
    %mul3A_18 = arith.muli %select_n3A, %mul3A_17 : i32
    %add3A_19 = arith.addi %mul3A_2, %mul3A_18 : i32
    %mul3A_20 = arith.constant 2 : i32
    %mul3A_21 = arith.muli %add3A_19, %mul3A_20 : i32
    %multiple_of3A = tpu.assume_multiple %mul3A_21, 512 : i32
    %dma_start3A = tpu.memref_slice %arg3[%multiple_of3A] : memref<3276800xi32, #tpu.memory_space<hbm>> -> memref<512xi32, #tpu.memory_space<hbm>>
    %dma_start3A_22 = tpu.memref_slice %arg3[%multiple_of3A] : memref<3276800xi32, #tpu.memory_space<hbm>> -> memref<512xi32, #tpu.memory_space<hbm>>
    tpu.enqueue_dma source(%dma_start3A_22 : memref<512xi32, #tpu.memory_space<hbm>>) target(%arg6 : memref<512xi32, #tpu.memory_space<vmem>>) target_semaphore(%arg12 : memref<!tpu.dma_semaphore, #tpu.memory_space<semaphore_mem>>)
    %dma_start3A_23 = tpu.memref_slice %arg4[%multiple_of3A] : memref<3276800xi32, #tpu.memory_space<hbm>> -> memref<512xi32, #tpu.memory_space<hbm>>
    %dma_start3A_24 = tpu.memref_slice %arg4[%multiple_of3A] : memref<3276800xi32, #tpu.memory_space<hbm>> -> memref<512xi32, #tpu.memory_space<hbm>>
    tpu.enqueue_dma source(%dma_start3A_24 : memref<512xi32, #tpu.memory_space<hbm>>) target(%arg7 : memref<512xi32, #tpu.memory_space<vmem>>) target_semaphore(%arg12 : memref<!tpu.dma_semaphore, #tpu.memory_space<semaphore_mem>>)
    %add3A_25 = arith.constant 0 : i32
    %add3A_26 = arith.addi %mul3A_2, %add3A_25 : i32
    %multiple_of3A_27 = tpu.assume_multiple %add3A_26, 256 : i32
    %mul3A_28 = arith.constant 2 : i32
    %mul3A_29 = arith.muli %multiple_of3A_27, %mul3A_28 : i32
    %multiple_of3A_30 = tpu.assume_multiple %mul3A_29, 512 : i32
    %dma_wait3A = tpu.memref_slice %arg3[%multiple_of3A_30] : memref<3276800xi32, #tpu.memory_space<hbm>> -> memref<512xi32, #tpu.memory_space<hbm>>
    %dma_wait3A_31 = tpu.memref_slice %arg3[%multiple_of3A_30] : memref<3276800xi32, #tpu.memory_space<hbm>> -> memref<512xi32, #tpu.memory_space<hbm>>
    tpu.wait_dma2 semaphore(%arg12 : memref<!tpu.dma_semaphore, #tpu.memory_space<semaphore_mem>>) src(%dma_wait3A_31 : memref<512xi32, #tpu.memory_space<hbm>>) dst(%arg6 : memref<512xi32, #tpu.memory_space<vmem>>)
    %dma_wait3A_32 = tpu.memref_slice %arg4[%multiple_of3A_30] : memref<3276800xi32, #tpu.memory_space<hbm>> -> memref<512xi32, #tpu.memory_space<hbm>>
    %dma_wait3A_33 = tpu.memref_slice %arg4[%multiple_of3A_30] : memref<3276800xi32, #tpu.memory_space<hbm>> -> memref<512xi32, #tpu.memory_space<hbm>>
    tpu.wait_dma2 semaphore(%arg12 : memref<!tpu.dma_semaphore, #tpu.memory_space<semaphore_mem>>) src(%dma_wait3A_33 : memref<512xi32, #tpu.memory_space<hbm>>) dst(%arg7 : memref<512xi32, #tpu.memory_space<vmem>>)
    %scan3A = arith.constant 0 : i32
    %scan3A_34 = arith.constant 0 : i32
    %scan3A_35 = arith.constant 8 : i32
    %scan3A_36 = arith.addi %scan3A_34, %scan3A_35 : i32
    %scan3A_37 = arith.constant 1 : i32
    scf.for %scan3A_205 = %scan3A_34 to %scan3A_36 step %scan3A_37  : i32 {
      %add3A_206 = arith.constant 0 : i32
      %add3A_207 = arith.addi %add3A_206, %scan3A_205 : i32
      %mul3A_208 = arith.constant 2 : i32
      %mul3A_209 = arith.muli %add3A_207, %mul3A_208 : i32
      %mul3A_210 = arith.constant 16 : i32
      %mul3A_211 = arith.muli %mul3A_209, %mul3A_210 : i32
      %multiple_of3A_212 = tpu.assume_multiple %mul3A_211, 16 : i32
      %get3A = arith.index_cast %multiple_of3A_212 : i32 to index
      %get3A_213 = tpu.vector_load %arg6[%get3A] {strides = array<i32>} : memref<512xi32, #tpu.memory_space<vmem>>, vector<16xi32>,
      %get3A_214 = vector.shape_cast %get3A_213 : vector<16xi32> to vector<16xi32>
      %add3A_215 = arith.constant 16 : i32
      %add3A_216 = arith.addi %multiple_of3A_212, %add3A_215 : i32
      %get3A_217 = arith.index_cast %add3A_216 : i32 to index
      %get3A_218 = tpu.vector_load %arg6[%get3A_217] {strides = array<i32>} : memref<512xi32, #tpu.memory_space<vmem>>, vector<16xi32>,
      %get3A_219 = vector.shape_cast %get3A_218 : vector<16xi32> to vector<16xi32>
      %get3A_220 = arith.index_cast %multiple_of3A_212 : i32 to index
      %get3A_221 = tpu.vector_load %arg7[%get3A_220] {strides = array<i32>} : memref<512xi32, #tpu.memory_space<vmem>>, vector<16xi32>,
      %get3A_222 = vector.shape_cast %get3A_221 : vector<16xi32> to vector<16xi32>
      %add3A_223 = arith.constant 16 : i32
      %add3A_224 = arith.addi %multiple_of3A_212, %add3A_223 : i32
      %get3A_225 = arith.index_cast %add3A_224 : i32 to index
      %get3A_226 = tpu.vector_load %arg7[%get3A_225] {strides = array<i32>} : memref<512xi32, #tpu.memory_space<vmem>>, vector<16xi32>,
      %get3A_227 = vector.shape_cast %get3A_226 : vector<16xi32> to vector<16xi32>
      %mul3A_228 = arith.constant 2 : i32
      %mul3A_229 = vector.broadcast %mul3A_228 : i32 to vector<16xi32>
      %mul3A_230 = arith.muli %get3A_214, %mul3A_229 : vector<16xi32>
      %add3A_231 = arith.addi %mul3A_230, %get3A_222 : vector<16xi32>
      %mul3A_232 = arith.constant 2 : i32
      %mul3A_233 = vector.broadcast %mul3A_232 : i32 to vector<16xi32>
      %mul3A_234 = arith.muli %get3A_219, %mul3A_233 : vector<16xi32>
      %add3A_235 = arith.addi %mul3A_234, %get3A_227 : vector<16xi32>
      %broadcast_in_dim3A = vector.shape_cast %and3A_7 : vector<16xi32> to vector<16x1xi32>
      %gather3A = vector.shape_cast %broadcast_in_dim3A : vector<16x1xi32> to vector<16xi32>
      %gather3A_236 = tpu.dynamic_gather %add3A_231[%gather3A] in [0] : vector<16xi32>, vector<16xi32> -> vector<16xi32>
      %broadcast_in_dim3A_237 = vector.shape_cast %and3A_7 : vector<16xi32> to vector<16x1xi32>
      %gather3A_238 = vector.shape_cast %broadcast_in_dim3A_237 : vector<16x1xi32> to vector<16xi32>
      %gather3A_239 = tpu.dynamic_gather %add3A_235[%gather3A_238] in [0] : vector<16xi32>, vector<16xi32> -> vector<16xi32>
      %select_n3A_240 = arith.select %lt3A_12, %gather3A_236, %gather3A_239 : vector<16xi1>, vector<16xi32>
      %broadcast_in_dim3A_241 = vector.shape_cast %add3A_10 : vector<16xi32> to vector<16x1xi32>
      %gather3A_242 = vector.shape_cast %broadcast_in_dim3A_241 : vector<16x1xi32> to vector<16xi32>
      %gather3A_243 = tpu.dynamic_gather %add3A_231[%gather3A_242] in [0] : vector<16xi32>, vector<16xi32> -> vector<16xi32>
      %broadcast_in_dim3A_244 = vector.shape_cast %add3A_10 : vector<16xi32> to vector<16x1xi32>
      %gather3A_245 = vector.shape_cast %broadcast_in_dim3A_244 : vector<16x1xi32> to vector<16xi32>
      %gather3A_246 = tpu.dynamic_gather %add3A_235[%gather3A_245] in [0] : vector<16xi32>, vector<16xi32> -> vector<16xi32>
      %select_n3A_247 = arith.select %lt3A_12, %gather3A_243, %gather3A_246 : vector<16xi1>, vector<16xi32>
      %mul3A_248 = arith.constant 6 : i32
      %mul3A_249 = vector.broadcast %mul3A_248 : i32 to vector<16xi32>
      %mul3A_250 = arith.muli %select_n3A_240, %mul3A_249 : vector<16xi32>
      %add3A_251 = arith.addi %mul3A_250, %select_n3A_247 : vector<16xi32>
      %mul3A_252 = arith.constant 16 : i32
      %mul3A_253 = arith.muli %scan3A_205, %mul3A_252 : i32
      %swap3A = arith.constant 0 : i32
      %swap3A_254 = arith.index_cast %swap3A : i32 to index
      %swap3A_255 = arith.index_cast %mul3A_253 : i32 to index
      %swap3A_256 = tpu.vector_load %arg8[%swap3A_254, %swap3A_255] {strides = array<i32>} : memref<2x128xi32, #tpu.memory_space<vmem>>, vector<1x16xi32>,
      %swap3A_257 = vector.shape_cast %swap3A_256 : vector<1x16xi32> to vector<16xi32>
      %swap3A_258 = vector.shape_cast %add3A_251 : vector<16xi32> to vector<1x16xi32>
      tpu.vector_store %arg8[%swap3A_254, %swap3A_255], %swap3A_258 {strides = array<i32>} : memref<2x128xi32, #tpu.memory_space<vmem>>, vector<1x16xi32>,
    }
    %scan3A_38 = arith.constant 8 : i32
    %scan3A_39 = arith.constant 0 : i32
    %scan3A_40 = arith.constant 0 : i32
    %scan3A_41 = arith.constant 8 : i32
    %scan3A_42 = arith.addi %scan3A_40, %scan3A_41 : i32
    %scan3A_43 = arith.constant 1 : i32
    scf.for %scan3A_205 = %scan3A_40 to %scan3A_42 step %scan3A_43  : i32 {
      %add3A_206 = arith.constant 8 : i32
      %add3A_207 = arith.addi %add3A_206, %scan3A_205 : i32
      %mul3A_208 = arith.constant 2 : i32
      %mul3A_209 = arith.muli %add3A_207, %mul3A_208 : i32
      %mul3A_210 = arith.constant 16 : i32
      %mul3A_211 = arith.muli %mul3A_209, %mul3A_210 : i32
      %multiple_of3A_212 = tpu.assume_multiple %mul3A_211, 16 : i32
      %get3A = arith.index_cast %multiple_of3A_212 : i32 to index
      %get3A_213 = tpu.vector_load %arg6[%get3A] {strides = array<i32>} : memref<512xi32, #tpu.memory_space<vmem>>, vector<16xi32>,
      %get3A_214 = vector.shape_cast %get3A_213 : vector<16xi32> to vector<16xi32>
      %add3A_215 = arith.constant 16 : i32
      %add3A_216 = arith.addi %multiple_of3A_212, %add3A_215 : i32
      %get3A_217 = arith.index_cast %add3A_216 : i32 to index
      %get3A_218 = tpu.vector_load %arg6[%get3A_217] {strides = array<i32>} : memref<512xi32, #tpu.memory_space<vmem>>, vector<16xi32>,
      %get3A_219 = vector.shape_cast %get3A_218 : vector<16xi32> to vector<16xi32>
      %get3A_220 = arith.index_cast %multiple_of3A_212 : i32 to index
      %get3A_221 = tpu.vector_load %arg7[%get3A_220] {strides = array<i32>} : memref<512xi32, #tpu.memory_space<vmem>>, vector<16xi32>,
      %get3A_222 = vector.shape_cast %get3A_221 : vector<16xi32> to vector<16xi32>
      %add3A_223 = arith.constant 16 : i32
      %add3A_224 = arith.addi %multiple_of3A_212, %add3A_223 : i32
      %get3A_225 = arith.index_cast %add3A_224 : i32 to index
      %get3A_226 = tpu.vector_load %arg7[%get3A_225] {strides = array<i32>} : memref<512xi32, #tpu.memory_space<vmem>>, vector<16xi32>,
      %get3A_227 = vector.shape_cast %get3A_226 : vector<16xi32> to vector<16xi32>
      %mul3A_228 = arith.constant 2 : i32
      %mul3A_229 = vector.broadcast %mul3A_228 : i32 to vector<16xi32>
      %mul3A_230 = arith.muli %get3A_214, %mul3A_229 : vector<16xi32>
      %add3A_231 = arith.addi %mul3A_230, %get3A_222 : vector<16xi32>
      %mul3A_232 = arith.constant 2 : i32
      %mul3A_233 = vector.broadcast %mul3A_232 : i32 to vector<16xi32>
      %mul3A_234 = arith.muli %get3A_219, %mul3A_233 : vector<16xi32>
      %add3A_235 = arith.addi %mul3A_234, %get3A_227 : vector<16xi32>
      %broadcast_in_dim3A = vector.shape_cast %and3A_7 : vector<16xi32> to vector<16x1xi32>
      %gather3A = vector.shape_cast %broadcast_in_dim3A : vector<16x1xi32> to vector<16xi32>
      %gather3A_236 = tpu.dynamic_gather %add3A_231[%gather3A] in [0] : vector<16xi32>, vector<16xi32> -> vector<16xi32>
      %broadcast_in_dim3A_237 = vector.shape_cast %and3A_7 : vector<16xi32> to vector<16x1xi32>
      %gather3A_238 = vector.shape_cast %broadcast_in_dim3A_237 : vector<16x1xi32> to vector<16xi32>
      %gather3A_239 = tpu.dynamic_gather %add3A_235[%gather3A_238] in [0] : vector<16xi32>, vector<16xi32> -> vector<16xi32>
      %select_n3A_240 = arith.select %lt3A_12, %gather3A_236, %gather3A_239 : vector<16xi1>, vector<16xi32>
      %broadcast_in_dim3A_241 = vector.shape_cast %add3A_10 : vector<16xi32> to vector<16x1xi32>
      %gather3A_242 = vector.shape_cast %broadcast_in_dim3A_241 : vector<16x1xi32> to vector<16xi32>
      %gather3A_243 = tpu.dynamic_gather %add3A_231[%gather3A_242] in [0] : vector<16xi32>, vector<16xi32> -> vector<16xi32>
      %broadcast_in_dim3A_244 = vector.shape_cast %add3A_10 : vector<16xi32> to vector<16x1xi32>
      %gather3A_245 = vector.shape_cast %broadcast_in_dim3A_244 : vector<16x1xi32> to vector<16xi32>
      %gather3A_246 = tpu.dynamic_gather %add3A_235[%gather3A_245] in [0] : vector<16xi32>, vector<16xi32> -> vector<16xi32>
      %select_n3A_247 = arith.select %lt3A_12, %gather3A_243, %gather3A_246 : vector<16xi1>, vector<16xi32>
      %mul3A_248 = arith.constant 6 : i32
      %mul3A_249 = vector.broadcast %mul3A_248 : i32 to vector<16xi32>
      %mul3A_250 = arith.muli %select_n3A_240, %mul3A_249 : vector<16xi32>
      %add3A_251 = arith.addi %mul3A_250, %select_n3A_247 : vector<16xi32>
      %mul3A_252 = arith.constant 16 : i32
      %mul3A_253 = arith.muli %scan3A_205, %mul3A_252 : i32
      %swap3A = arith.constant 1 : i32
      %swap3A_254 = arith.index_cast %swap3A : i32 to index
      %swap3A_255 = arith.index_cast %mul3A_253 : i32 to index
      %swap3A_256 = tpu.vector_load %arg8[%swap3A_254, %swap3A_255] {strides = array<i32>} : memref<2x128xi32, #tpu.memory_space<vmem>>, vector<1x16xi32>,
      %swap3A_257 = vector.shape_cast %swap3A_256 : vector<1x16xi32> to vector<16xi32>
      %swap3A_258 = vector.shape_cast %add3A_251 : vector<16xi32> to vector<1x16xi32>
      tpu.vector_store %arg8[%swap3A_254, %swap3A_255], %swap3A_258 {strides = array<i32>} : memref<2x128xi32, #tpu.memory_space<vmem>>, vector<1x16xi32>,
    }
    %scan3A_44 = arith.constant 8 : i32
    %jit3A_45 = arith.constant true
    %jit3A_46 = arith.constant 1 : i32
    %jit3A_47 = arith.constant 0 : i32
    %select_n3A_48 = arith.select %jit3A_45, %jit3A_46, %jit3A_47 : i32
    %mul3A_49 = arith.constant 256 : i32
    %mul3A_50 = arith.muli %select_n3A_48, %mul3A_49 : i32
    %add3A_51 = arith.addi %mul3A_2, %mul3A_50 : i32
    %mul3A_52 = arith.constant 2 : i32
    %mul3A_53 = arith.muli %add3A_51, %mul3A_52 : i32
    %multiple_of3A_54 = tpu.assume_multiple %mul3A_53, 512 : i32
    %dma_start3A_55 = tpu.memref_slice %arg3[%multiple_of3A_54] : memref<3276800xi32, #tpu.memory_space<hbm>> -> memref<512xi32, #tpu.memory_space<hbm>>
    %dma_start3A_56 = tpu.memref_slice %arg3[%multiple_of3A_54] : memref<3276800xi32, #tpu.memory_space<hbm>> -> memref<512xi32, #tpu.memory_space<hbm>>
    tpu.enqueue_dma source(%dma_start3A_56 : memref<512xi32, #tpu.memory_space<hbm>>) target(%arg6 : memref<512xi32, #tpu.memory_space<vmem>>) target_semaphore(%arg12 : memref<!tpu.dma_semaphore, #tpu.memory_space<semaphore_mem>>)
    %dma_start3A_57 = tpu.memref_slice %arg4[%multiple_of3A_54] : memref<3276800xi32, #tpu.memory_space<hbm>> -> memref<512xi32, #tpu.memory_space<hbm>>
    %dma_start3A_58 = tpu.memref_slice %arg4[%multiple_of3A_54] : memref<3276800xi32, #tpu.memory_space<hbm>> -> memref<512xi32, #tpu.memory_space<hbm>>
    tpu.enqueue_dma source(%dma_start3A_58 : memref<512xi32, #tpu.memory_space<hbm>>) target(%arg7 : memref<512xi32, #tpu.memory_space<vmem>>) target_semaphore(%arg12 : memref<!tpu.dma_semaphore, #tpu.memory_space<semaphore_mem>>)
    %dma_start3A_59 = arith.constant 0 : i32
    %dma_start3A_60 = arith.constant 0 : i32
    %dma_start3A_61 = arith.constant 0 : i32
    %dma_start3A_62 = tpu.memref_slice %arg9[%dma_start3A_60, %dma_start3A_61] : memref<256x128xf32, #tpu.memory_space<vmem>> -> memref<128x128xf32, #tpu.memory_space<vmem>>
    %dma_start3A_63 = arith.constant 0 : i32
    %dma_start3A_64 = tpu.memref_slice %arg8[%dma_start3A_59, %dma_start3A_63] : memref<2x128xi32, #tpu.memory_space<vmem>> -> memref<1x128xi32, #tpu.memory_space<vmem>>
    %dma_start3A_65 = tpu.memref_squeeze %dma_start3A_64 : memref<1x128xi32, #tpu.memory_space<vmem>> -> memref<128xi32, #tpu.memory_space<vmem>>
    %dma_start3A_66 = arith.constant 0 : i32
    %dma_start3A_67 = arith.constant 0 : i32
    %dma_start3A_68 = tpu.memref_slice %arg11[%dma_start3A_66, %dma_start3A_67] : memref<36x128xf32, #tpu.memory_space<vmem_shared>> -> memref<36x128xf32, #tpu.memory_space<vmem_shared>>
    tpu.enqueue_indirect_dma source(%dma_start3A_68 : memref<36x128xf32, #tpu.memory_space<vmem_shared>>) target(%dma_start3A_62 : memref<128x128xf32, #tpu.memory_space<vmem>>) offsets(%dma_start3A_65 : memref<128xi32, #tpu.memory_space<vmem>>) semaphore(%arg13 : memref<!tpu.dma_semaphore, #tpu.memory_space<semaphore_mem>>)
    %dma_start3A_69 = arith.constant 1 : i32
    %dma_start3A_70 = arith.constant 128 : i32
    %dma_start3A_71 = arith.constant 0 : i32
    %dma_start3A_72 = tpu.memref_slice %arg9[%dma_start3A_70, %dma_start3A_71] : memref<256x128xf32, #tpu.memory_space<vmem>> -> memref<128x128xf32, #tpu.memory_space<vmem>>
    %dma_start3A_73 = arith.constant 0 : i32
    %dma_start3A_74 = tpu.memref_slice %arg8[%dma_start3A_69, %dma_start3A_73] : memref<2x128xi32, #tpu.memory_space<vmem>> -> memref<1x128xi32, #tpu.memory_space<vmem>>
    %dma_start3A_75 = tpu.memref_squeeze %dma_start3A_74 : memref<1x128xi32, #tpu.memory_space<vmem>> -> memref<128xi32, #tpu.memory_space<vmem>>
    %dma_start3A_76 = arith.constant 0 : i32
    %dma_start3A_77 = arith.constant 0 : i32
    %dma_start3A_78 = tpu.memref_slice %arg11[%dma_start3A_76, %dma_start3A_77] : memref<36x128xf32, #tpu.memory_space<vmem_shared>> -> memref<36x128xf32, #tpu.memory_space<vmem_shared>>
    tpu.enqueue_indirect_dma source(%dma_start3A_78 : memref<36x128xf32, #tpu.memory_space<vmem_shared>>) target(%dma_start3A_72 : memref<128x128xf32, #tpu.memory_space<vmem>>) offsets(%dma_start3A_75 : memref<128xi32, #tpu.memory_space<vmem>>) semaphore(%arg13 : memref<!tpu.dma_semaphore, #tpu.memory_space<semaphore_mem>>)
    %dma_wait3A_79 = arith.constant 0 : i32
    %dma_wait3A_80 = arith.constant 0 : i32
    %dma_wait3A_81 = arith.constant 0 : i32
    %dma_wait3A_82 = tpu.memref_slice %arg9[%dma_wait3A_80, %dma_wait3A_81] : memref<256x128xf32, #tpu.memory_space<vmem>> -> memref<128x128xf32, #tpu.memory_space<vmem>>
    %dma_wait3A_83 = arith.constant 0 : i32
    %dma_wait3A_84 = tpu.memref_slice %arg8[%dma_wait3A_79, %dma_wait3A_83] : memref<2x128xi32, #tpu.memory_space<vmem>> -> memref<1x128xi32, #tpu.memory_space<vmem>>
    %dma_wait3A_85 = tpu.memref_squeeze %dma_wait3A_84 : memref<1x128xi32, #tpu.memory_space<vmem>> -> memref<128xi32, #tpu.memory_space<vmem>>
    %dma_wait3A_86 = arith.constant 0 : i32
    %dma_wait3A_87 = arith.constant 0 : i32
    %dma_wait3A_88 = tpu.memref_slice %arg11[%dma_wait3A_86, %dma_wait3A_87] : memref<36x128xf32, #tpu.memory_space<vmem_shared>> -> memref<36x128xf32, #tpu.memory_space<vmem_shared>>
    tpu.wait_indirect_dma semaphore(%arg13 : memref<!tpu.dma_semaphore, #tpu.memory_space<semaphore_mem>>) src(%dma_wait3A_88 : memref<36x128xf32, #tpu.memory_space<vmem_shared>>) dst(%dma_wait3A_82 : memref<128x128xf32, #tpu.memory_space<vmem>>)
    %dma_wait3A_89 = arith.constant 1 : i32
    %dma_wait3A_90 = arith.constant 128 : i32
    %dma_wait3A_91 = arith.constant 0 : i32
    %dma_wait3A_92 = tpu.memref_slice %arg9[%dma_wait3A_90, %dma_wait3A_91] : memref<256x128xf32, #tpu.memory_space<vmem>> -> memref<128x128xf32, #tpu.memory_space<vmem>>
    %dma_wait3A_93 = arith.constant 0 : i32
    %dma_wait3A_94 = tpu.memref_slice %arg8[%dma_wait3A_89, %dma_wait3A_93] : memref<2x128xi32, #tpu.memory_space<vmem>> -> memref<1x128xi32, #tpu.memory_space<vmem>>
    %dma_wait3A_95 = tpu.memref_squeeze %dma_wait3A_94 : memref<1x128xi32, #tpu.memory_space<vmem>> -> memref<128xi32, #tpu.memory_space<vmem>>
    %dma_wait3A_96 = arith.constant 0 : i32
    %dma_wait3A_97 = arith.constant 0 : i32
    %dma_wait3A_98 = tpu.memref_slice %arg11[%dma_wait3A_96, %dma_wait3A_97] : memref<36x128xf32, #tpu.memory_space<vmem_shared>> -> memref<36x128xf32, #tpu.memory_space<vmem_shared>>
    tpu.wait_indirect_dma semaphore(%arg13 : memref<!tpu.dma_semaphore, #tpu.memory_space<semaphore_mem>>) src(%dma_wait3A_98 : memref<36x128xf32, #tpu.memory_space<vmem_shared>>) dst(%dma_wait3A_92 : memref<128x128xf32, #tpu.memory_space<vmem>>)
    %dma_start3A_99 = arith.constant 0 : i32
    %dma_start3A_100 = tpu.memref_slice %arg5[%multiple_of3A_27, %dma_start3A_99] : memref<1638400x128xf32, #tpu.memory_space<hbm>> -> memref<256x128xf32, #tpu.memory_space<hbm>>
    %dma_start3A_101 = arith.constant 0 : i32
    %dma_start3A_102 = tpu.memref_slice %arg5[%multiple_of3A_27, %dma_start3A_101] : memref<1638400x128xf32, #tpu.memory_space<hbm>> -> memref<256x128xf32, #tpu.memory_space<hbm>>
    tpu.enqueue_dma source(%arg9 : memref<256x128xf32, #tpu.memory_space<vmem>>) target(%dma_start3A_102 : memref<256x128xf32, #tpu.memory_space<hbm>>) target_semaphore(%arg14 : memref<!tpu.dma_semaphore, #tpu.memory_space<semaphore_mem>>)
    %add3A_103 = arith.constant 256 : i32
    %add3A_104 = arith.addi %mul3A_2, %add3A_103 : i32
    %multiple_of3A_105 = tpu.assume_multiple %add3A_104, 256 : i32
    %mul3A_106 = arith.constant 2 : i32
    %mul3A_107 = arith.muli %multiple_of3A_105, %mul3A_106 : i32
    %multiple_of3A_108 = tpu.assume_multiple %mul3A_107, 512 : i32
    %dma_wait3A_109 = tpu.memref_slice %arg3[%multiple_of3A_108] : memref<3276800xi32, #tpu.memory_space<hbm>> -> memref<512xi32, #tpu.memory_space<hbm>>
    %dma_wait3A_110 = tpu.memref_slice %arg3[%multiple_of3A_108] : memref<3276800xi32, #tpu.memory_space<hbm>> -> memref<512xi32, #tpu.memory_space<hbm>>
    tpu.wait_dma2 semaphore(%arg12 : memref<!tpu.dma_semaphore, #tpu.memory_space<semaphore_mem>>) src(%dma_wait3A_110 : memref<512xi32, #tpu.memory_space<hbm>>) dst(%arg6 : memref<512xi32, #tpu.memory_space<vmem>>)
    %dma_wait3A_111 = tpu.memref_slice %arg4[%multiple_of3A_108] : memref<3276800xi32, #tpu.memory_space<hbm>> -> memref<512xi32, #tpu.memory_space<hbm>>
    %dma_wait3A_112 = tpu.memref_slice %arg4[%multiple_of3A_108] : memref<3276800xi32, #tpu.memory_space<hbm>> -> memref<512xi32, #tpu.memory_space<hbm>>
    tpu.wait_dma2 semaphore(%arg12 : memref<!tpu.dma_semaphore, #tpu.memory_space<semaphore_mem>>) src(%dma_wait3A_112 : memref<512xi32, #tpu.memory_space<hbm>>) dst(%arg7 : memref<512xi32, #tpu.memory_space<vmem>>)
    %scan3A_113 = arith.constant 0 : i32
    %scan3A_114 = arith.constant 0 : i32
    %scan3A_115 = arith.constant 8 : i32
    %scan3A_116 = arith.addi %scan3A_114, %scan3A_115 : i32
    %scan3A_117 = arith.constant 1 : i32
    scf.for %scan3A_205 = %scan3A_114 to %scan3A_116 step %scan3A_117  : i32 {
      %add3A_206 = arith.constant 0 : i32
      %add3A_207 = arith.addi %add3A_206, %scan3A_205 : i32
      %mul3A_208 = arith.constant 2 : i32
      %mul3A_209 = arith.muli %add3A_207, %mul3A_208 : i32
      %mul3A_210 = arith.constant 16 : i32
      %mul3A_211 = arith.muli %mul3A_209, %mul3A_210 : i32
      %multiple_of3A_212 = tpu.assume_multiple %mul3A_211, 16 : i32
      %get3A = arith.index_cast %multiple_of3A_212 : i32 to index
      %get3A_213 = tpu.vector_load %arg6[%get3A] {strides = array<i32>} : memref<512xi32, #tpu.memory_space<vmem>>, vector<16xi32>,
      %get3A_214 = vector.shape_cast %get3A_213 : vector<16xi32> to vector<16xi32>
      %add3A_215 = arith.constant 16 : i32
      %add3A_216 = arith.addi %multiple_of3A_212, %add3A_215 : i32
      %get3A_217 = arith.index_cast %add3A_216 : i32 to index
      %get3A_218 = tpu.vector_load %arg6[%get3A_217] {strides = array<i32>} : memref<512xi32, #tpu.memory_space<vmem>>, vector<16xi32>,
      %get3A_219 = vector.shape_cast %get3A_218 : vector<16xi32> to vector<16xi32>
      %get3A_220 = arith.index_cast %multiple_of3A_212 : i32 to index
      %get3A_221 = tpu.vector_load %arg7[%get3A_220] {strides = array<i32>} : memref<512xi32, #tpu.memory_space<vmem>>, vector<16xi32>,
      %get3A_222 = vector.shape_cast %get3A_221 : vector<16xi32> to vector<16xi32>
      %add3A_223 = arith.constant 16 : i32
      %add3A_224 = arith.addi %multiple_of3A_212, %add3A_223 : i32
      %get3A_225 = arith.index_cast %add3A_224 : i32 to index
      %get3A_226 = tpu.vector_load %arg7[%get3A_225] {strides = array<i32>} : memref<512xi32, #tpu.memory_space<vmem>>, vector<16xi32>,
      %get3A_227 = vector.shape_cast %get3A_226 : vector<16xi32> to vector<16xi32>
      %mul3A_228 = arith.constant 2 : i32
      %mul3A_229 = vector.broadcast %mul3A_228 : i32 to vector<16xi32>
      %mul3A_230 = arith.muli %get3A_214, %mul3A_229 : vector<16xi32>
      %add3A_231 = arith.addi %mul3A_230, %get3A_222 : vector<16xi32>
      %mul3A_232 = arith.constant 2 : i32
      %mul3A_233 = vector.broadcast %mul3A_232 : i32 to vector<16xi32>
      %mul3A_234 = arith.muli %get3A_219, %mul3A_233 : vector<16xi32>
      %add3A_235 = arith.addi %mul3A_234, %get3A_227 : vector<16xi32>
      %broadcast_in_dim3A = vector.shape_cast %and3A_7 : vector<16xi32> to vector<16x1xi32>
      %gather3A = vector.shape_cast %broadcast_in_dim3A : vector<16x1xi32> to vector<16xi32>
      %gather3A_236 = tpu.dynamic_gather %add3A_231[%gather3A] in [0] : vector<16xi32>, vector<16xi32> -> vector<16xi32>
      %broadcast_in_dim3A_237 = vector.shape_cast %and3A_7 : vector<16xi32> to vector<16x1xi32>
      %gather3A_238 = vector.shape_cast %broadcast_in_dim3A_237 : vector<16x1xi32> to vector<16xi32>
      %gather3A_239 = tpu.dynamic_gather %add3A_235[%gather3A_238] in [0] : vector<16xi32>, vector<16xi32> -> vector<16xi32>
      %select_n3A_240 = arith.select %lt3A_12, %gather3A_236, %gather3A_239 : vector<16xi1>, vector<16xi32>
      %broadcast_in_dim3A_241 = vector.shape_cast %add3A_10 : vector<16xi32> to vector<16x1xi32>
      %gather3A_242 = vector.shape_cast %broadcast_in_dim3A_241 : vector<16x1xi32> to vector<16xi32>
      %gather3A_243 = tpu.dynamic_gather %add3A_231[%gather3A_242] in [0] : vector<16xi32>, vector<16xi32> -> vector<16xi32>
      %broadcast_in_dim3A_244 = vector.shape_cast %add3A_10 : vector<16xi32> to vector<16x1xi32>
      %gather3A_245 = vector.shape_cast %broadcast_in_dim3A_244 : vector<16x1xi32> to vector<16xi32>
      %gather3A_246 = tpu.dynamic_gather %add3A_235[%gather3A_245] in [0] : vector<16xi32>, vector<16xi32> -> vector<16xi32>
      %select_n3A_247 = arith.select %lt3A_12, %gather3A_243, %gather3A_246 : vector<16xi1>, vector<16xi32>
      %mul3A_248 = arith.constant 6 : i32
      %mul3A_249 = vector.broadcast %mul3A_248 : i32 to vector<16xi32>
      %mul3A_250 = arith.muli %select_n3A_240, %mul3A_249 : vector<16xi32>
      %add3A_251 = arith.addi %mul3A_250, %select_n3A_247 : vector<16xi32>
      %mul3A_252 = arith.constant 16 : i32
      %mul3A_253 = arith.muli %scan3A_205, %mul3A_252 : i32
      %swap3A = arith.constant 0 : i32
      %swap3A_254 = arith.index_cast %swap3A : i32 to index
      %swap3A_255 = arith.index_cast %mul3A_253 : i32 to index
      %swap3A_256 = tpu.vector_load %arg8[%swap3A_254, %swap3A_255] {strides = array<i32>} : memref<2x128xi32, #tpu.memory_space<vmem>>, vector<1x16xi32>,
      %swap3A_257 = vector.shape_cast %swap3A_256 : vector<1x16xi32> to vector<16xi32>
      %swap3A_258 = vector.shape_cast %add3A_251 : vector<16xi32> to vector<1x16xi32>
      tpu.vector_store %arg8[%swap3A_254, %swap3A_255], %swap3A_258 {strides = array<i32>} : memref<2x128xi32, #tpu.memory_space<vmem>>, vector<1x16xi32>,
    }
    %scan3A_118 = arith.constant 8 : i32
    %scan3A_119 = arith.constant 0 : i32
    %scan3A_120 = arith.constant 0 : i32
    %scan3A_121 = arith.constant 8 : i32
    %scan3A_122 = arith.addi %scan3A_120, %scan3A_121 : i32
    %scan3A_123 = arith.constant 1 : i32
    scf.for %scan3A_205 = %scan3A_120 to %scan3A_122 step %scan3A_123  : i32 {
      %add3A_206 = arith.constant 8 : i32
      %add3A_207 = arith.addi %add3A_206, %scan3A_205 : i32
      %mul3A_208 = arith.constant 2 : i32
      %mul3A_209 = arith.muli %add3A_207, %mul3A_208 : i32
      %mul3A_210 = arith.constant 16 : i32
      %mul3A_211 = arith.muli %mul3A_209, %mul3A_210 : i32
      %multiple_of3A_212 = tpu.assume_multiple %mul3A_211, 16 : i32
      %get3A = arith.index_cast %multiple_of3A_212 : i32 to index
      %get3A_213 = tpu.vector_load %arg6[%get3A] {strides = array<i32>} : memref<512xi32, #tpu.memory_space<vmem>>, vector<16xi32>,
      %get3A_214 = vector.shape_cast %get3A_213 : vector<16xi32> to vector<16xi32>
      %add3A_215 = arith.constant 16 : i32
      %add3A_216 = arith.addi %multiple_of3A_212, %add3A_215 : i32
      %get3A_217 = arith.index_cast %add3A_216 : i32 to index
      %get3A_218 = tpu.vector_load %arg6[%get3A_217] {strides = array<i32>} : memref<512xi32, #tpu.memory_space<vmem>>, vector<16xi32>,
      %get3A_219 = vector.shape_cast %get3A_218 : vector<16xi32> to vector<16xi32>
      %get3A_220 = arith.index_cast %multiple_of3A_212 : i32 to index
      %get3A_221 = tpu.vector_load %arg7[%get3A_220] {strides = array<i32>} : memref<512xi32, #tpu.memory_space<vmem>>, vector<16xi32>,
      %get3A_222 = vector.shape_cast %get3A_221 : vector<16xi32> to vector<16xi32>
      %add3A_223 = arith.constant 16 : i32
      %add3A_224 = arith.addi %multiple_of3A_212, %add3A_223 : i32
      %get3A_225 = arith.index_cast %add3A_224 : i32 to index
      %get3A_226 = tpu.vector_load %arg7[%get3A_225] {strides = array<i32>} : memref<512xi32, #tpu.memory_space<vmem>>, vector<16xi32>,
      %get3A_227 = vector.shape_cast %get3A_226 : vector<16xi32> to vector<16xi32>
      %mul3A_228 = arith.constant 2 : i32
      %mul3A_229 = vector.broadcast %mul3A_228 : i32 to vector<16xi32>
      %mul3A_230 = arith.muli %get3A_214, %mul3A_229 : vector<16xi32>
      %add3A_231 = arith.addi %mul3A_230, %get3A_222 : vector<16xi32>
      %mul3A_232 = arith.constant 2 : i32
      %mul3A_233 = vector.broadcast %mul3A_232 : i32 to vector<16xi32>
      %mul3A_234 = arith.muli %get3A_219, %mul3A_233 : vector<16xi32>
      %add3A_235 = arith.addi %mul3A_234, %get3A_227 : vector<16xi32>
      %broadcast_in_dim3A = vector.shape_cast %and3A_7 : vector<16xi32> to vector<16x1xi32>
      %gather3A = vector.shape_cast %broadcast_in_dim3A : vector<16x1xi32> to vector<16xi32>
      %gather3A_236 = tpu.dynamic_gather %add3A_231[%gather3A] in [0] : vector<16xi32>, vector<16xi32> -> vector<16xi32>
      %broadcast_in_dim3A_237 = vector.shape_cast %and3A_7 : vector<16xi32> to vector<16x1xi32>
      %gather3A_238 = vector.shape_cast %broadcast_in_dim3A_237 : vector<16x1xi32> to vector<16xi32>
      %gather3A_239 = tpu.dynamic_gather %add3A_235[%gather3A_238] in [0] : vector<16xi32>, vector<16xi32> -> vector<16xi32>
      %select_n3A_240 = arith.select %lt3A_12, %gather3A_236, %gather3A_239 : vector<16xi1>, vector<16xi32>
      %broadcast_in_dim3A_241 = vector.shape_cast %add3A_10 : vector<16xi32> to vector<16x1xi32>
      %gather3A_242 = vector.shape_cast %broadcast_in_dim3A_241 : vector<16x1xi32> to vector<16xi32>
      %gather3A_243 = tpu.dynamic_gather %add3A_231[%gather3A_242] in [0] : vector<16xi32>, vector<16xi32> -> vector<16xi32>
      %broadcast_in_dim3A_244 = vector.shape_cast %add3A_10 : vector<16xi32> to vector<16x1xi32>
      %gather3A_245 = vector.shape_cast %broadcast_in_dim3A_244 : vector<16x1xi32> to vector<16xi32>
      %gather3A_246 = tpu.dynamic_gather %add3A_235[%gather3A_245] in [0] : vector<16xi32>, vector<16xi32> -> vector<16xi32>
      %select_n3A_247 = arith.select %lt3A_12, %gather3A_243, %gather3A_246 : vector<16xi1>, vector<16xi32>
      %mul3A_248 = arith.constant 6 : i32
      %mul3A_249 = vector.broadcast %mul3A_248 : i32 to vector<16xi32>
      %mul3A_250 = arith.muli %select_n3A_240, %mul3A_249 : vector<16xi32>
      %add3A_251 = arith.addi %mul3A_250, %select_n3A_247 : vector<16xi32>
      %mul3A_252 = arith.constant 16 : i32
      %mul3A_253 = arith.muli %scan3A_205, %mul3A_252 : i32
      %swap3A = arith.constant 1 : i32
      %swap3A_254 = arith.index_cast %swap3A : i32 to index
      %swap3A_255 = arith.index_cast %mul3A_253 : i32 to index
      %swap3A_256 = tpu.vector_load %arg8[%swap3A_254, %swap3A_255] {strides = array<i32>} : memref<2x128xi32, #tpu.memory_space<vmem>>, vector<1x16xi32>,
      %swap3A_257 = vector.shape_cast %swap3A_256 : vector<1x16xi32> to vector<16xi32>
      %swap3A_258 = vector.shape_cast %add3A_251 : vector<16xi32> to vector<1x16xi32>
      tpu.vector_store %arg8[%swap3A_254, %swap3A_255], %swap3A_258 {strides = array<i32>} : memref<2x128xi32, #tpu.memory_space<vmem>>, vector<1x16xi32>,
    }
    %scan3A_124 = arith.constant 8 : i32
    %jit3A_125 = arith.constant true
    %jit3A_126 = arith.constant 2 : i32
    %jit3A_127 = arith.constant 0 : i32
    %select_n3A_128 = arith.select %jit3A_125, %jit3A_126, %jit3A_127 : i32
    %mul3A_129 = arith.constant 256 : i32
    %mul3A_130 = arith.muli %select_n3A_128, %mul3A_129 : i32
    %add3A_131 = arith.addi %mul3A_2, %mul3A_130 : i32
    %mul3A_132 = arith.constant 2 : i32
    %mul3A_133 = arith.muli %add3A_131, %mul3A_132 : i32
    %multiple_of3A_134 = tpu.assume_multiple %mul3A_133, 512 : i32
    %dma_start3A_135 = tpu.memref_slice %arg3[%multiple_of3A_134] : memref<3276800xi32, #tpu.memory_space<hbm>> -> memref<512xi32, #tpu.memory_space<hbm>>
    %dma_start3A_136 = tpu.memref_slice %arg3[%multiple_of3A_134] : memref<3276800xi32, #tpu.memory_space<hbm>> -> memref<512xi32, #tpu.memory_space<hbm>>
    tpu.enqueue_dma source(%dma_start3A_136 : memref<512xi32, #tpu.memory_space<hbm>>) target(%arg6 : memref<512xi32, #tpu.memory_space<vmem>>) target_semaphore(%arg12 : memref<!tpu.dma_semaphore, #tpu.memory_space<semaphore_mem>>)
    %dma_start3A_137 = tpu.memref_slice %arg4[%multiple_of3A_134] : memref<3276800xi32, #tpu.memory_space<hbm>> -> memref<512xi32, #tpu.memory_space<hbm>>
    %dma_start3A_138 = tpu.memref_slice %arg4[%multiple_of3A_134] : memref<3276800xi32, #tpu.memory_space<hbm>> -> memref<512xi32, #tpu.memory_space<hbm>>
    tpu.enqueue_dma source(%dma_start3A_138 : memref<512xi32, #tpu.memory_space<hbm>>) target(%arg7 : memref<512xi32, #tpu.memory_space<vmem>>) target_semaphore(%arg12 : memref<!tpu.dma_semaphore, #tpu.memory_space<semaphore_mem>>)
    %dma_start3A_139 = arith.constant 0 : i32
    %dma_start3A_140 = arith.constant 0 : i32
    %dma_start3A_141 = arith.constant 0 : i32
    %dma_start3A_142 = tpu.memref_slice %arg10[%dma_start3A_140, %dma_start3A_141] : memref<256x128xf32, #tpu.memory_space<vmem>> -> memref<128x128xf32, #tpu.memory_space<vmem>>
    %dma_start3A_143 = arith.constant 0 : i32
    %dma_start3A_144 = tpu.memref_slice %arg8[%dma_start3A_139, %dma_start3A_143] : memref<2x128xi32, #tpu.memory_space<vmem>> -> memref<1x128xi32, #tpu.memory_space<vmem>>
    %dma_start3A_145 = tpu.memref_squeeze %dma_start3A_144 : memref<1x128xi32, #tpu.memory_space<vmem>> -> memref<128xi32, #tpu.memory_space<vmem>>
    %dma_start3A_146 = arith.constant 0 : i32
    %dma_start3A_147 = arith.constant 0 : i32
    %dma_start3A_148 = tpu.memref_slice %arg11[%dma_start3A_146, %dma_start3A_147] : memref<36x128xf32, #tpu.memory_space<vmem_shared>> -> memref<36x128xf32, #tpu.memory_space<vmem_shared>>
    tpu.enqueue_indirect_dma source(%dma_start3A_148 : memref<36x128xf32, #tpu.memory_space<vmem_shared>>) target(%dma_start3A_142 : memref<128x128xf32, #tpu.memory_space<vmem>>) offsets(%dma_start3A_145 : memref<128xi32, #tpu.memory_space<vmem>>) semaphore(%arg13 : memref<!tpu.dma_semaphore, #tpu.memory_space<semaphore_mem>>)
    %dma_start3A_149 = arith.constant 1 : i32
    %dma_start3A_150 = arith.constant 128 : i32
    %dma_start3A_151 = arith.constant 0 : i32
    %dma_start3A_152 = tpu.memref_slice %arg10[%dma_start3A_150, %dma_start3A_151] : memref<256x128xf32, #tpu.memory_space<vmem>> -> memref<128x128xf32, #tpu.memory_space<vmem>>
    %dma_start3A_153 = arith.constant 0 : i32
    %dma_start3A_154 = tpu.memref_slice %arg8[%dma_start3A_149, %dma_start3A_153] : memref<2x128xi32, #tpu.memory_space<vmem>> -> memref<1x128xi32, #tpu.memory_space<vmem>>
    %dma_start3A_155 = tpu.memref_squeeze %dma_start3A_154 : memref<1x128xi32, #tpu.memory_space<vmem>> -> memref<128xi32, #tpu.memory_space<vmem>>
    %dma_start3A_156 = arith.constant 0 : i32
    %dma_start3A_157 = arith.constant 0 : i32
    %dma_start3A_158 = tpu.memref_slice %arg11[%dma_start3A_156, %dma_start3A_157] : memref<36x128xf32, #tpu.memory_space<vmem_shared>> -> memref<36x128xf32, #tpu.memory_space<vmem_shared>>
    tpu.enqueue_indirect_dma source(%dma_start3A_158 : memref<36x128xf32, #tpu.memory_space<vmem_shared>>) target(%dma_start3A_152 : memref<128x128xf32, #tpu.memory_space<vmem>>) offsets(%dma_start3A_155 : memref<128xi32, #tpu.memory_space<vmem>>) semaphore(%arg13 : memref<!tpu.dma_semaphore, #tpu.memory_space<semaphore_mem>>)
    %dma_wait3A_159 = arith.constant 0 : i32
    %dma_wait3A_160 = arith.constant 0 : i32
    %dma_wait3A_161 = arith.constant 0 : i32
    %dma_wait3A_162 = tpu.memref_slice %arg10[%dma_wait3A_160, %dma_wait3A_161] : memref<256x128xf32, #tpu.memory_space<vmem>> -> memref<128x128xf32, #tpu.memory_space<vmem>>
    %dma_wait3A_163 = arith.constant 0 : i32
    %dma_wait3A_164 = tpu.memref_slice %arg8[%dma_wait3A_159, %dma_wait3A_163] : memref<2x128xi32, #tpu.memory_space<vmem>> -> memref<1x128xi32, #tpu.memory_space<vmem>>
    %dma_wait3A_165 = tpu.memref_squeeze %dma_wait3A_164 : memref<1x128xi32, #tpu.memory_space<vmem>> -> memref<128xi32, #tpu.memory_space<vmem>>
    %dma_wait3A_166 = arith.constant 0 : i32
    %dma_wait3A_167 = arith.constant 0 : i32
    %dma_wait3A_168 = tpu.memref_slice %arg11[%dma_wait3A_166, %dma_wait3A_167] : memref<36x128xf32, #tpu.memory_space<vmem_shared>> -> memref<36x128xf32, #tpu.memory_space<vmem_shared>>
    tpu.wait_indirect_dma semaphore(%arg13 : memref<!tpu.dma_semaphore, #tpu.memory_space<semaphore_mem>>) src(%dma_wait3A_168 : memref<36x128xf32, #tpu.memory_space<vmem_shared>>) dst(%dma_wait3A_162 : memref<128x128xf32, #tpu.memory_space<vmem>>)
    %dma_wait3A_169 = arith.constant 1 : i32
    %dma_wait3A_170 = arith.constant 128 : i32
    %dma_wait3A_171 = arith.constant 0 : i32
    %dma_wait3A_172 = tpu.memref_slice %arg10[%dma_wait3A_170, %dma_wait3A_171] : memref<256x128xf32, #tpu.memory_space<vmem>> -> memref<128x128xf32, #tpu.memory_space<vmem>>
    %dma_wait3A_173 = arith.constant 0 : i32
    %dma_wait3A_174 = tpu.memref_slice %arg8[%dma_wait3A_169, %dma_wait3A_173] : memref<2x128xi32, #tpu.memory_space<vmem>> -> memref<1x128xi32, #tpu.memory_space<vmem>>
    %dma_wait3A_175 = tpu.memref_squeeze %dma_wait3A_174 : memref<1x128xi32, #tpu.memory_space<vmem>> -> memref<128xi32, #tpu.memory_space<vmem>>
    %dma_wait3A_176 = arith.constant 0 : i32
    %dma_wait3A_177 = arith.constant 0 : i32
    %dma_wait3A_178 = tpu.memref_slice %arg11[%dma_wait3A_176, %dma_wait3A_177] : memref<36x128xf32, #tpu.memory_space<vmem_shared>> -> memref<36x128xf32, #tpu.memory_space<vmem_shared>>
    tpu.wait_indirect_dma semaphore(%arg13 : memref<!tpu.dma_semaphore, #tpu.memory_space<semaphore_mem>>) src(%dma_wait3A_178 : memref<36x128xf32, #tpu.memory_space<vmem_shared>>) dst(%dma_wait3A_172 : memref<128x128xf32, #tpu.memory_space<vmem>>)
    %dma_start3A_179 = arith.constant 0 : i32
    %dma_start3A_180 = tpu.memref_slice %arg5[%multiple_of3A_105, %dma_start3A_179] : memref<1638400x128xf32, #tpu.memory_space<hbm>> -> memref<256x128xf32, #tpu.memory_space<hbm>>
    %dma_start3A_181 = arith.constant 0 : i32
    %dma_start3A_182 = tpu.memref_slice %arg5[%multiple_of3A_105, %dma_start3A_181] : memref<1638400x128xf32, #tpu.memory_space<hbm>> -> memref<256x128xf32, #tpu.memory_space<hbm>>
    tpu.enqueue_dma source(%arg10 : memref<256x128xf32, #tpu.memory_space<vmem>>) target(%dma_start3A_182 : memref<256x128xf32, #tpu.memory_space<hbm>>) target_semaphore(%arg15 : memref<!tpu.dma_semaphore, #tpu.memory_space<semaphore_mem>>)
    %scan3A_183 = arith.constant 0 : i32
    %scan3A_184 = arith.constant 1 : i32
    %scan3A_185 = arith.constant 99 : i32
    %scan3A_186 = arith.addi %scan3A_184, %scan3A_185 : i32
    %scan3A_187 = arith.constant 1 : i32
    scf.for %scan3A_205 = %scan3A_184 to %scan3A_186 step %scan3A_187  : i32 {
      %mul3A_206 = arith.constant 2 : i32
      %mul3A_207 = arith.muli %mul3A_206, %scan3A_205 : i32
      %mul3A_208 = arith.constant 256 : i32
      %mul3A_209 = arith.muli %mul3A_207, %mul3A_208 : i32
      %add3A_210 = arith.addi %mul3A_2, %mul3A_209 : i32
      %multiple_of3A_211 = tpu.assume_multiple %add3A_210, 256 : i32
      %mul3A_212 = arith.constant 2 : i32
      %mul3A_213 = arith.muli %multiple_of3A_211, %mul3A_212 : i32
      %multiple_of3A_214 = tpu.assume_multiple %mul3A_213, 512 : i32
      %dma_wait3A_215 = tpu.memref_slice %arg3[%multiple_of3A_214] : memref<3276800xi32, #tpu.memory_space<hbm>> -> memref<512xi32, #tpu.memory_space<hbm>>
      %dma_wait3A_216 = tpu.memref_slice %arg3[%multiple_of3A_214] : memref<3276800xi32, #tpu.memory_space<hbm>> -> memref<512xi32, #tpu.memory_space<hbm>>
      tpu.wait_dma2 semaphore(%arg12 : memref<!tpu.dma_semaphore, #tpu.memory_space<semaphore_mem>>) src(%dma_wait3A_216 : memref<512xi32, #tpu.memory_space<hbm>>) dst(%arg6 : memref<512xi32, #tpu.memory_space<vmem>>)
      %dma_wait3A_217 = tpu.memref_slice %arg4[%multiple_of3A_214] : memref<3276800xi32, #tpu.memory_space<hbm>> -> memref<512xi32, #tpu.memory_space<hbm>>
      %dma_wait3A_218 = tpu.memref_slice %arg4[%multiple_of3A_214] : memref<3276800xi32, #tpu.memory_space<hbm>> -> memref<512xi32, #tpu.memory_space<hbm>>
      tpu.wait_dma2 semaphore(%arg12 : memref<!tpu.dma_semaphore, #tpu.memory_space<semaphore_mem>>) src(%dma_wait3A_218 : memref<512xi32, #tpu.memory_space<hbm>>) dst(%arg7 : memref<512xi32, #tpu.memory_space<vmem>>)
      %scan3A_219 = arith.constant 0 : i32
      %scan3A_220 = arith.constant 0 : i32
      %scan3A_221 = arith.constant 8 : i32
      %scan3A_222 = arith.addi %scan3A_220, %scan3A_221 : i32
      %scan3A_223 = arith.constant 1 : i32
      scf.for %scan3A_386 = %scan3A_220 to %scan3A_222 step %scan3A_223  : i32 {
        %add3A_387 = arith.constant 0 : i32
        %add3A_388 = arith.addi %add3A_387, %scan3A_386 : i32
        %mul3A_389 = arith.constant 2 : i32
        %mul3A_390 = arith.muli %add3A_388, %mul3A_389 : i32
        %mul3A_391 = arith.constant 16 : i32
        %mul3A_392 = arith.muli %mul3A_390, %mul3A_391 : i32
        %multiple_of3A_393 = tpu.assume_multiple %mul3A_392, 16 : i32
        %get3A = arith.index_cast %multiple_of3A_393 : i32 to index
        %get3A_394 = tpu.vector_load %arg6[%get3A] {strides = array<i32>} : memref<512xi32, #tpu.memory_space<vmem>>, vector<16xi32>,
        %get3A_395 = vector.shape_cast %get3A_394 : vector<16xi32> to vector<16xi32>
        %add3A_396 = arith.constant 16 : i32
        %add3A_397 = arith.addi %multiple_of3A_393, %add3A_396 : i32
        %get3A_398 = arith.index_cast %add3A_397 : i32 to index
        %get3A_399 = tpu.vector_load %arg6[%get3A_398] {strides = array<i32>} : memref<512xi32, #tpu.memory_space<vmem>>, vector<16xi32>,
        %get3A_400 = vector.shape_cast %get3A_399 : vector<16xi32> to vector<16xi32>
        %get3A_401 = arith.index_cast %multiple_of3A_393 : i32 to index
        %get3A_402 = tpu.vector_load %arg7[%get3A_401] {strides = array<i32>} : memref<512xi32, #tpu.memory_space<vmem>>, vector<16xi32>,
        %get3A_403 = vector.shape_cast %get3A_402 : vector<16xi32> to vector<16xi32>
        %add3A_404 = arith.constant 16 : i32
        %add3A_405 = arith.addi %multiple_of3A_393, %add3A_404 : i32
        %get3A_406 = arith.index_cast %add3A_405 : i32 to index
        %get3A_407 = tpu.vector_load %arg7[%get3A_406] {strides = array<i32>} : memref<512xi32, #tpu.memory_space<vmem>>, vector<16xi32>,
        %get3A_408 = vector.shape_cast %get3A_407 : vector<16xi32> to vector<16xi32>
        %mul3A_409 = arith.constant 2 : i32
        %mul3A_410 = vector.broadcast %mul3A_409 : i32 to vector<16xi32>
        %mul3A_411 = arith.muli %get3A_395, %mul3A_410 : vector<16xi32>
        %add3A_412 = arith.addi %mul3A_411, %get3A_403 : vector<16xi32>
        %mul3A_413 = arith.constant 2 : i32
        %mul3A_414 = vector.broadcast %mul3A_413 : i32 to vector<16xi32>
        %mul3A_415 = arith.muli %get3A_400, %mul3A_414 : vector<16xi32>
        %add3A_416 = arith.addi %mul3A_415, %get3A_408 : vector<16xi32>
        %broadcast_in_dim3A = vector.shape_cast %and3A_7 : vector<16xi32> to vector<16x1xi32>
        %gather3A = vector.shape_cast %broadcast_in_dim3A : vector<16x1xi32> to vector<16xi32>
        %gather3A_417 = tpu.dynamic_gather %add3A_412[%gather3A] in [0] : vector<16xi32>, vector<16xi32> -> vector<16xi32>
        %broadcast_in_dim3A_418 = vector.shape_cast %and3A_7 : vector<16xi32> to vector<16x1xi32>
        %gather3A_419 = vector.shape_cast %broadcast_in_dim3A_418 : vector<16x1xi32> to vector<16xi32>
        %gather3A_420 = tpu.dynamic_gather %add3A_416[%gather3A_419] in [0] : vector<16xi32>, vector<16xi32> -> vector<16xi32>
        %select_n3A_421 = arith.select %lt3A_12, %gather3A_417, %gather3A_420 : vector<16xi1>, vector<16xi32>
        %broadcast_in_dim3A_422 = vector.shape_cast %add3A_10 : vector<16xi32> to vector<16x1xi32>
        %gather3A_423 = vector.shape_cast %broadcast_in_dim3A_422 : vector<16x1xi32> to vector<16xi32>
        %gather3A_424 = tpu.dynamic_gather %add3A_412[%gather3A_423] in [0] : vector<16xi32>, vector<16xi32> -> vector<16xi32>
        %broadcast_in_dim3A_425 = vector.shape_cast %add3A_10 : vector<16xi32> to vector<16x1xi32>
        %gather3A_426 = vector.shape_cast %broadcast_in_dim3A_425 : vector<16x1xi32> to vector<16xi32>
        %gather3A_427 = tpu.dynamic_gather %add3A_416[%gather3A_426] in [0] : vector<16xi32>, vector<16xi32> -> vector<16xi32>
        %select_n3A_428 = arith.select %lt3A_12, %gather3A_424, %gather3A_427 : vector<16xi1>, vector<16xi32>
        %mul3A_429 = arith.constant 6 : i32
        %mul3A_430 = vector.broadcast %mul3A_429 : i32 to vector<16xi32>
        %mul3A_431 = arith.muli %select_n3A_421, %mul3A_430 : vector<16xi32>
        %add3A_432 = arith.addi %mul3A_431, %select_n3A_428 : vector<16xi32>
        %mul3A_433 = arith.constant 16 : i32
        %mul3A_434 = arith.muli %scan3A_386, %mul3A_433 : i32
        %swap3A = arith.constant 0 : i32
        %swap3A_435 = arith.index_cast %swap3A : i32 to index
        %swap3A_436 = arith.index_cast %mul3A_434 : i32 to index
        %swap3A_437 = tpu.vector_load %arg8[%swap3A_435, %swap3A_436] {strides = array<i32>} : memref<2x128xi32, #tpu.memory_space<vmem>>, vector<1x16xi32>,
        %swap3A_438 = vector.shape_cast %swap3A_437 : vector<1x16xi32> to vector<16xi32>
        %swap3A_439 = vector.shape_cast %add3A_432 : vector<16xi32> to vector<1x16xi32>
        tpu.vector_store %arg8[%swap3A_435, %swap3A_436], %swap3A_439 {strides = array<i32>} : memref<2x128xi32, #tpu.memory_space<vmem>>, vector<1x16xi32>,
      }
      %scan3A_224 = arith.constant 8 : i32
      %scan3A_225 = arith.constant 0 : i32
      %scan3A_226 = arith.constant 0 : i32
      %scan3A_227 = arith.constant 8 : i32
      %scan3A_228 = arith.addi %scan3A_226, %scan3A_227 : i32
      %scan3A_229 = arith.constant 1 : i32
      scf.for %scan3A_386 = %scan3A_226 to %scan3A_228 step %scan3A_229  : i32 {
        %add3A_387 = arith.constant 8 : i32
        %add3A_388 = arith.addi %add3A_387, %scan3A_386 : i32
        %mul3A_389 = arith.constant 2 : i32
        %mul3A_390 = arith.muli %add3A_388, %mul3A_389 : i32
        %mul3A_391 = arith.constant 16 : i32
        %mul3A_392 = arith.muli %mul3A_390, %mul3A_391 : i32
        %multiple_of3A_393 = tpu.assume_multiple %mul3A_392, 16 : i32
        %get3A = arith.index_cast %multiple_of3A_393 : i32 to index
        %get3A_394 = tpu.vector_load %arg6[%get3A] {strides = array<i32>} : memref<512xi32, #tpu.memory_space<vmem>>, vector<16xi32>,
        %get3A_395 = vector.shape_cast %get3A_394 : vector<16xi32> to vector<16xi32>
        %add3A_396 = arith.constant 16 : i32
        %add3A_397 = arith.addi %multiple_of3A_393, %add3A_396 : i32
        %get3A_398 = arith.index_cast %add3A_397 : i32 to index
        %get3A_399 = tpu.vector_load %arg6[%get3A_398] {strides = array<i32>} : memref<512xi32, #tpu.memory_space<vmem>>, vector<16xi32>,
        %get3A_400 = vector.shape_cast %get3A_399 : vector<16xi32> to vector<16xi32>
        %get3A_401 = arith.index_cast %multiple_of3A_393 : i32 to index
        %get3A_402 = tpu.vector_load %arg7[%get3A_401] {strides = array<i32>} : memref<512xi32, #tpu.memory_space<vmem>>, vector<16xi32>,
        %get3A_403 = vector.shape_cast %get3A_402 : vector<16xi32> to vector<16xi32>
        %add3A_404 = arith.constant 16 : i32
        %add3A_405 = arith.addi %multiple_of3A_393, %add3A_404 : i32
        %get3A_406 = arith.index_cast %add3A_405 : i32 to index
        %get3A_407 = tpu.vector_load %arg7[%get3A_406] {strides = array<i32>} : memref<512xi32, #tpu.memory_space<vmem>>, vector<16xi32>,
        %get3A_408 = vector.shape_cast %get3A_407 : vector<16xi32> to vector<16xi32>
        %mul3A_409 = arith.constant 2 : i32
        %mul3A_410 = vector.broadcast %mul3A_409 : i32 to vector<16xi32>
        %mul3A_411 = arith.muli %get3A_395, %mul3A_410 : vector<16xi32>
        %add3A_412 = arith.addi %mul3A_411, %get3A_403 : vector<16xi32>
        %mul3A_413 = arith.constant 2 : i32
        %mul3A_414 = vector.broadcast %mul3A_413 : i32 to vector<16xi32>
        %mul3A_415 = arith.muli %get3A_400, %mul3A_414 : vector<16xi32>
        %add3A_416 = arith.addi %mul3A_415, %get3A_408 : vector<16xi32>
        %broadcast_in_dim3A = vector.shape_cast %and3A_7 : vector<16xi32> to vector<16x1xi32>
        %gather3A = vector.shape_cast %broadcast_in_dim3A : vector<16x1xi32> to vector<16xi32>
        %gather3A_417 = tpu.dynamic_gather %add3A_412[%gather3A] in [0] : vector<16xi32>, vector<16xi32> -> vector<16xi32>
        %broadcast_in_dim3A_418 = vector.shape_cast %and3A_7 : vector<16xi32> to vector<16x1xi32>
        %gather3A_419 = vector.shape_cast %broadcast_in_dim3A_418 : vector<16x1xi32> to vector<16xi32>
        %gather3A_420 = tpu.dynamic_gather %add3A_416[%gather3A_419] in [0] : vector<16xi32>, vector<16xi32> -> vector<16xi32>
        %select_n3A_421 = arith.select %lt3A_12, %gather3A_417, %gather3A_420 : vector<16xi1>, vector<16xi32>
        %broadcast_in_dim3A_422 = vector.shape_cast %add3A_10 : vector<16xi32> to vector<16x1xi32>
        %gather3A_423 = vector.shape_cast %broadcast_in_dim3A_422 : vector<16x1xi32> to vector<16xi32>
        %gather3A_424 = tpu.dynamic_gather %add3A_412[%gather3A_423] in [0] : vector<16xi32>, vector<16xi32> -> vector<16xi32>
        %broadcast_in_dim3A_425 = vector.shape_cast %add3A_10 : vector<16xi32> to vector<16x1xi32>
        %gather3A_426 = vector.shape_cast %broadcast_in_dim3A_425 : vector<16x1xi32> to vector<16xi32>
        %gather3A_427 = tpu.dynamic_gather %add3A_416[%gather3A_426] in [0] : vector<16xi32>, vector<16xi32> -> vector<16xi32>
        %select_n3A_428 = arith.select %lt3A_12, %gather3A_424, %gather3A_427 : vector<16xi1>, vector<16xi32>
        %mul3A_429 = arith.constant 6 : i32
        %mul3A_430 = vector.broadcast %mul3A_429 : i32 to vector<16xi32>
        %mul3A_431 = arith.muli %select_n3A_421, %mul3A_430 : vector<16xi32>
        %add3A_432 = arith.addi %mul3A_431, %select_n3A_428 : vector<16xi32>
        %mul3A_433 = arith.constant 16 : i32
        %mul3A_434 = arith.muli %scan3A_386, %mul3A_433 : i32
        %swap3A = arith.constant 1 : i32
        %swap3A_435 = arith.index_cast %swap3A : i32 to index
        %swap3A_436 = arith.index_cast %mul3A_434 : i32 to index
        %swap3A_437 = tpu.vector_load %arg8[%swap3A_435, %swap3A_436] {strides = array<i32>} : memref<2x128xi32, #tpu.memory_space<vmem>>, vector<1x16xi32>,
        %swap3A_438 = vector.shape_cast %swap3A_437 : vector<1x16xi32> to vector<16xi32>
        %swap3A_439 = vector.shape_cast %add3A_432 : vector<16xi32> to vector<1x16xi32>
        tpu.vector_store %arg8[%swap3A_435, %swap3A_436], %swap3A_439 {strides = array<i32>} : memref<2x128xi32, #tpu.memory_space<vmem>>, vector<1x16xi32>,
      }
      %scan3A_230 = arith.constant 8 : i32
      %add3A_231 = arith.constant 1 : i32
      %add3A_232 = arith.addi %mul3A_207, %add3A_231 : i32
      %lt3A_233 = arith.constant 200 : i32
      %lt3A_234 = arith.cmpi slt, %add3A_232, %lt3A_233 : i32
      %jit3A_235 = arith.constant 0 : i32
      %select_n3A_236 = arith.select %lt3A_234, %add3A_232, %jit3A_235 : i32
      %mul3A_237 = arith.constant 256 : i32
      %mul3A_238 = arith.muli %select_n3A_236, %mul3A_237 : i32
      %add3A_239 = arith.addi %mul3A_2, %mul3A_238 : i32
      %mul3A_240 = arith.constant 2 : i32
      %mul3A_241 = arith.muli %add3A_239, %mul3A_240 : i32
      %multiple_of3A_242 = tpu.assume_multiple %mul3A_241, 512 : i32
      %dma_start3A_243 = tpu.memref_slice %arg3[%multiple_of3A_242] : memref<3276800xi32, #tpu.memory_space<hbm>> -> memref<512xi32, #tpu.memory_space<hbm>>
      %dma_start3A_244 = tpu.memref_slice %arg3[%multiple_of3A_242] : memref<3276800xi32, #tpu.memory_space<hbm>> -> memref<512xi32, #tpu.memory_space<hbm>>
      tpu.enqueue_dma source(%dma_start3A_244 : memref<512xi32, #tpu.memory_space<hbm>>) target(%arg6 : memref<512xi32, #tpu.memory_space<vmem>>) target_semaphore(%arg12 : memref<!tpu.dma_semaphore, #tpu.memory_space<semaphore_mem>>)
      %dma_start3A_245 = tpu.memref_slice %arg4[%multiple_of3A_242] : memref<3276800xi32, #tpu.memory_space<hbm>> -> memref<512xi32, #tpu.memory_space<hbm>>
      %dma_start3A_246 = tpu.memref_slice %arg4[%multiple_of3A_242] : memref<3276800xi32, #tpu.memory_space<hbm>> -> memref<512xi32, #tpu.memory_space<hbm>>
      tpu.enqueue_dma source(%dma_start3A_246 : memref<512xi32, #tpu.memory_space<hbm>>) target(%arg7 : memref<512xi32, #tpu.memory_space<vmem>>) target_semaphore(%arg12 : memref<!tpu.dma_semaphore, #tpu.memory_space<semaphore_mem>>)
      %dma_wait3A_247 = arith.constant 0 : i32
      %dma_wait3A_248 = tpu.memref_slice %arg5[%multiple_of3A_211, %dma_wait3A_247] : memref<1638400x128xf32, #tpu.memory_space<hbm>> -> memref<256x128xf32, #tpu.memory_space<hbm>>
      %dma_wait3A_249 = arith.constant 0 : i32
      %dma_wait3A_250 = tpu.memref_slice %arg5[%multiple_of3A_211, %dma_wait3A_249] : memref<1638400x128xf32, #tpu.memory_space<hbm>> -> memref<256x128xf32, #tpu.memory_space<hbm>>
      tpu.wait_dma2 semaphore(%arg14 : memref<!tpu.dma_semaphore, #tpu.memory_space<semaphore_mem>>) src(%arg9 : memref<256x128xf32, #tpu.memory_space<vmem>>) dst(%dma_wait3A_250 : memref<256x128xf32, #tpu.memory_space<hbm>>)
      %dma_start3A_251 = arith.constant 0 : i32
      %dma_start3A_252 = arith.constant 0 : i32
      %dma_start3A_253 = arith.constant 0 : i32
      %dma_start3A_254 = tpu.memref_slice %arg9[%dma_start3A_252, %dma_start3A_253] : memref<256x128xf32, #tpu.memory_space<vmem>> -> memref<128x128xf32, #tpu.memory_space<vmem>>
      %dma_start3A_255 = arith.constant 0 : i32
      %dma_start3A_256 = tpu.memref_slice %arg8[%dma_start3A_251, %dma_start3A_255] : memref<2x128xi32, #tpu.memory_space<vmem>> -> memref<1x128xi32, #tpu.memory_space<vmem>>
      %dma_start3A_257 = tpu.memref_squeeze %dma_start3A_256 : memref<1x128xi32, #tpu.memory_space<vmem>> -> memref<128xi32, #tpu.memory_space<vmem>>
      %dma_start3A_258 = arith.constant 0 : i32
      %dma_start3A_259 = arith.constant 0 : i32
      %dma_start3A_260 = tpu.memref_slice %arg11[%dma_start3A_258, %dma_start3A_259] : memref<36x128xf32, #tpu.memory_space<vmem_shared>> -> memref<36x128xf32, #tpu.memory_space<vmem_shared>>
      tpu.enqueue_indirect_dma source(%dma_start3A_260 : memref<36x128xf32, #tpu.memory_space<vmem_shared>>) target(%dma_start3A_254 : memref<128x128xf32, #tpu.memory_space<vmem>>) offsets(%dma_start3A_257 : memref<128xi32, #tpu.memory_space<vmem>>) semaphore(%arg13 : memref<!tpu.dma_semaphore, #tpu.memory_space<semaphore_mem>>)
      %dma_start3A_261 = arith.constant 1 : i32
      %dma_start3A_262 = arith.constant 128 : i32
      %dma_start3A_263 = arith.constant 0 : i32
      %dma_start3A_264 = tpu.memref_slice %arg9[%dma_start3A_262, %dma_start3A_263] : memref<256x128xf32, #tpu.memory_space<vmem>> -> memref<128x128xf32, #tpu.memory_space<vmem>>
      %dma_start3A_265 = arith.constant 0 : i32
      %dma_start3A_266 = tpu.memref_slice %arg8[%dma_start3A_261, %dma_start3A_265] : memref<2x128xi32, #tpu.memory_space<vmem>> -> memref<1x128xi32, #tpu.memory_space<vmem>>
      %dma_start3A_267 = tpu.memref_squeeze %dma_start3A_266 : memref<1x128xi32, #tpu.memory_space<vmem>> -> memref<128xi32, #tpu.memory_space<vmem>>
      %dma_start3A_268 = arith.constant 0 : i32
      %dma_start3A_269 = arith.constant 0 : i32
      %dma_start3A_270 = tpu.memref_slice %arg11[%dma_start3A_268, %dma_start3A_269] : memref<36x128xf32, #tpu.memory_space<vmem_shared>> -> memref<36x128xf32, #tpu.memory_space<vmem_shared>>
      tpu.enqueue_indirect_dma source(%dma_start3A_270 : memref<36x128xf32, #tpu.memory_space<vmem_shared>>) target(%dma_start3A_264 : memref<128x128xf32, #tpu.memory_space<vmem>>) offsets(%dma_start3A_267 : memref<128xi32, #tpu.memory_space<vmem>>) semaphore(%arg13 : memref<!tpu.dma_semaphore, #tpu.memory_space<semaphore_mem>>)
      %dma_wait3A_271 = arith.constant 0 : i32
      %dma_wait3A_272 = arith.constant 0 : i32
      %dma_wait3A_273 = arith.constant 0 : i32
      %dma_wait3A_274 = tpu.memref_slice %arg9[%dma_wait3A_272, %dma_wait3A_273] : memref<256x128xf32, #tpu.memory_space<vmem>> -> memref<128x128xf32, #tpu.memory_space<vmem>>
      %dma_wait3A_275 = arith.constant 0 : i32
      %dma_wait3A_276 = tpu.memref_slice %arg8[%dma_wait3A_271, %dma_wait3A_275] : memref<2x128xi32, #tpu.memory_space<vmem>> -> memref<1x128xi32, #tpu.memory_space<vmem>>
      %dma_wait3A_277 = tpu.memref_squeeze %dma_wait3A_276 : memref<1x128xi32, #tpu.memory_space<vmem>> -> memref<128xi32, #tpu.memory_space<vmem>>
      %dma_wait3A_278 = arith.constant 0 : i32
      %dma_wait3A_279 = arith.constant 0 : i32
      %dma_wait3A_280 = tpu.memref_slice %arg11[%dma_wait3A_278, %dma_wait3A_279] : memref<36x128xf32, #tpu.memory_space<vmem_shared>> -> memref<36x128xf32, #tpu.memory_space<vmem_shared>>
      tpu.wait_indirect_dma semaphore(%arg13 : memref<!tpu.dma_semaphore, #tpu.memory_space<semaphore_mem>>) src(%dma_wait3A_280 : memref<36x128xf32, #tpu.memory_space<vmem_shared>>) dst(%dma_wait3A_274 : memref<128x128xf32, #tpu.memory_space<vmem>>)
      %dma_wait3A_281 = arith.constant 1 : i32
      %dma_wait3A_282 = arith.constant 128 : i32
      %dma_wait3A_283 = arith.constant 0 : i32
      %dma_wait3A_284 = tpu.memref_slice %arg9[%dma_wait3A_282, %dma_wait3A_283] : memref<256x128xf32, #tpu.memory_space<vmem>> -> memref<128x128xf32, #tpu.memory_space<vmem>>
      %dma_wait3A_285 = arith.constant 0 : i32
      %dma_wait3A_286 = tpu.memref_slice %arg8[%dma_wait3A_281, %dma_wait3A_285] : memref<2x128xi32, #tpu.memory_space<vmem>> -> memref<1x128xi32, #tpu.memory_space<vmem>>
      %dma_wait3A_287 = tpu.memref_squeeze %dma_wait3A_286 : memref<1x128xi32, #tpu.memory_space<vmem>> -> memref<128xi32, #tpu.memory_space<vmem>>
      %dma_wait3A_288 = arith.constant 0 : i32
      %dma_wait3A_289 = arith.constant 0 : i32
      %dma_wait3A_290 = tpu.memref_slice %arg11[%dma_wait3A_288, %dma_wait3A_289] : memref<36x128xf32, #tpu.memory_space<vmem_shared>> -> memref<36x128xf32, #tpu.memory_space<vmem_shared>>
      tpu.wait_indirect_dma semaphore(%arg13 : memref<!tpu.dma_semaphore, #tpu.memory_space<semaphore_mem>>) src(%dma_wait3A_290 : memref<36x128xf32, #tpu.memory_space<vmem_shared>>) dst(%dma_wait3A_284 : memref<128x128xf32, #tpu.memory_space<vmem>>)
      %dma_start3A_291 = arith.constant 0 : i32
      %dma_start3A_292 = tpu.memref_slice %arg5[%multiple_of3A_211, %dma_start3A_291] : memref<1638400x128xf32, #tpu.memory_space<hbm>> -> memref<256x128xf32, #tpu.memory_space<hbm>>
      %dma_start3A_293 = arith.constant 0 : i32
      %dma_start3A_294 = tpu.memref_slice %arg5[%multiple_of3A_211, %dma_start3A_293] : memref<1638400x128xf32, #tpu.memory_space<hbm>> -> memref<256x128xf32, #tpu.memory_space<hbm>>
      tpu.enqueue_dma source(%arg9 : memref<256x128xf32, #tpu.memory_space<vmem>>) target(%dma_start3A_294 : memref<256x128xf32, #tpu.memory_space<hbm>>) target_semaphore(%arg14 : memref<!tpu.dma_semaphore, #tpu.memory_space<semaphore_mem>>)
      %mul3A_295 = arith.constant 2 : i32
      %mul3A_296 = arith.muli %mul3A_295, %scan3A_205 : i32
      %add3A_297 = arith.constant 1 : i32
      %add3A_298 = arith.addi %mul3A_296, %add3A_297 : i32
      %mul3A_299 = arith.constant 256 : i32
      %mul3A_300 = arith.muli %add3A_298, %mul3A_299 : i32
      %add3A_301 = arith.addi %mul3A_2, %mul3A_300 : i32
      %multiple_of3A_302 = tpu.assume_multiple %add3A_301, 256 : i32
      %mul3A_303 = arith.constant 2 : i32
      %mul3A_304 = arith.muli %multiple_of3A_302, %mul3A_303 : i32
      %multiple_of3A_305 = tpu.assume_multiple %mul3A_304, 512 : i32
      %dma_wait3A_306 = tpu.memref_slice %arg3[%multiple_of3A_305] : memref<3276800xi32, #tpu.memory_space<hbm>> -> memref<512xi32, #tpu.memory_space<hbm>>
      %dma_wait3A_307 = tpu.memref_slice %arg3[%multiple_of3A_305] : memref<3276800xi32, #tpu.memory_space<hbm>> -> memref<512xi32, #tpu.memory_space<hbm>>
      tpu.wait_dma2 semaphore(%arg12 : memref<!tpu.dma_semaphore, #tpu.memory_space<semaphore_mem>>) src(%dma_wait3A_307 : memref<512xi32, #tpu.memory_space<hbm>>) dst(%arg6 : memref<512xi32, #tpu.memory_space<vmem>>)
      %dma_wait3A_308 = tpu.memref_slice %arg4[%multiple_of3A_305] : memref<3276800xi32, #tpu.memory_space<hbm>> -> memref<512xi32, #tpu.memory_space<hbm>>
      %dma_wait3A_309 = tpu.memref_slice %arg4[%multiple_of3A_305] : memref<3276800xi32, #tpu.memory_space<hbm>> -> memref<512xi32, #tpu.memory_space<hbm>>
      tpu.wait_dma2 semaphore(%arg12 : memref<!tpu.dma_semaphore, #tpu.memory_space<semaphore_mem>>) src(%dma_wait3A_309 : memref<512xi32, #tpu.memory_space<hbm>>) dst(%arg7 : memref<512xi32, #tpu.memory_space<vmem>>)
      %scan3A_310 = arith.constant 0 : i32
      %scan3A_311 = arith.constant 0 : i32
      %scan3A_312 = arith.constant 8 : i32
      %scan3A_313 = arith.addi %scan3A_311, %scan3A_312 : i32
      %scan3A_314 = arith.constant 1 : i32
      scf.for %scan3A_386 = %scan3A_311 to %scan3A_313 step %scan3A_314  : i32 {
        %add3A_387 = arith.constant 0 : i32
        %add3A_388 = arith.addi %add3A_387, %scan3A_386 : i32
        %mul3A_389 = arith.constant 2 : i32
        %mul3A_390 = arith.muli %add3A_388, %mul3A_389 : i32
        %mul3A_391 = arith.constant 16 : i32
        %mul3A_392 = arith.muli %mul3A_390, %mul3A_391 : i32
        %multiple_of3A_393 = tpu.assume_multiple %mul3A_392, 16 : i32
        %get3A = arith.index_cast %multiple_of3A_393 : i32 to index
        %get3A_394 = tpu.vector_load %arg6[%get3A] {strides = array<i32>} : memref<512xi32, #tpu.memory_space<vmem>>, vector<16xi32>,
        %get3A_395 = vector.shape_cast %get3A_394 : vector<16xi32> to vector<16xi32>
        %add3A_396 = arith.constant 16 : i32
        %add3A_397 = arith.addi %multiple_of3A_393, %add3A_396 : i32
        %get3A_398 = arith.index_cast %add3A_397 : i32 to index
        %get3A_399 = tpu.vector_load %arg6[%get3A_398] {strides = array<i32>} : memref<512xi32, #tpu.memory_space<vmem>>, vector<16xi32>,
        %get3A_400 = vector.shape_cast %get3A_399 : vector<16xi32> to vector<16xi32>
        %get3A_401 = arith.index_cast %multiple_of3A_393 : i32 to index
        %get3A_402 = tpu.vector_load %arg7[%get3A_401] {strides = array<i32>} : memref<512xi32, #tpu.memory_space<vmem>>, vector<16xi32>,
        %get3A_403 = vector.shape_cast %get3A_402 : vector<16xi32> to vector<16xi32>
        %add3A_404 = arith.constant 16 : i32
        %add3A_405 = arith.addi %multiple_of3A_393, %add3A_404 : i32
        %get3A_406 = arith.index_cast %add3A_405 : i32 to index
        %get3A_407 = tpu.vector_load %arg7[%get3A_406] {strides = array<i32>} : memref<512xi32, #tpu.memory_space<vmem>>, vector<16xi32>,
        %get3A_408 = vector.shape_cast %get3A_407 : vector<16xi32> to vector<16xi32>
        %mul3A_409 = arith.constant 2 : i32
        %mul3A_410 = vector.broadcast %mul3A_409 : i32 to vector<16xi32>
        %mul3A_411 = arith.muli %get3A_395, %mul3A_410 : vector<16xi32>
        %add3A_412 = arith.addi %mul3A_411, %get3A_403 : vector<16xi32>
        %mul3A_413 = arith.constant 2 : i32
        %mul3A_414 = vector.broadcast %mul3A_413 : i32 to vector<16xi32>
        %mul3A_415 = arith.muli %get3A_400, %mul3A_414 : vector<16xi32>
        %add3A_416 = arith.addi %mul3A_415, %get3A_408 : vector<16xi32>
        %broadcast_in_dim3A = vector.shape_cast %and3A_7 : vector<16xi32> to vector<16x1xi32>
        %gather3A = vector.shape_cast %broadcast_in_dim3A : vector<16x1xi32> to vector<16xi32>
        %gather3A_417 = tpu.dynamic_gather %add3A_412[%gather3A] in [0] : vector<16xi32>, vector<16xi32> -> vector<16xi32>
        %broadcast_in_dim3A_418 = vector.shape_cast %and3A_7 : vector<16xi32> to vector<16x1xi32>
        %gather3A_419 = vector.shape_cast %broadcast_in_dim3A_418 : vector<16x1xi32> to vector<16xi32>
        %gather3A_420 = tpu.dynamic_gather %add3A_416[%gather3A_419] in [0] : vector<16xi32>, vector<16xi32> -> vector<16xi32>
        %select_n3A_421 = arith.select %lt3A_12, %gather3A_417, %gather3A_420 : vector<16xi1>, vector<16xi32>
        %broadcast_in_dim3A_422 = vector.shape_cast %add3A_10 : vector<16xi32> to vector<16x1xi32>
        %gather3A_423 = vector.shape_cast %broadcast_in_dim3A_422 : vector<16x1xi32> to vector<16xi32>
        %gather3A_424 = tpu.dynamic_gather %add3A_412[%gather3A_423] in [0] : vector<16xi32>, vector<16xi32> -> vector<16xi32>
        %broadcast_in_dim3A_425 = vector.shape_cast %add3A_10 : vector<16xi32> to vector<16x1xi32>
        %gather3A_426 = vector.shape_cast %broadcast_in_dim3A_425 : vector<16x1xi32> to vector<16xi32>
        %gather3A_427 = tpu.dynamic_gather %add3A_416[%gather3A_426] in [0] : vector<16xi32>, vector<16xi32> -> vector<16xi32>
        %select_n3A_428 = arith.select %lt3A_12, %gather3A_424, %gather3A_427 : vector<16xi1>, vector<16xi32>
        %mul3A_429 = arith.constant 6 : i32
        %mul3A_430 = vector.broadcast %mul3A_429 : i32 to vector<16xi32>
        %mul3A_431 = arith.muli %select_n3A_421, %mul3A_430 : vector<16xi32>
        %add3A_432 = arith.addi %mul3A_431, %select_n3A_428 : vector<16xi32>
        %mul3A_433 = arith.constant 16 : i32
        %mul3A_434 = arith.muli %scan3A_386, %mul3A_433 : i32
        %swap3A = arith.constant 0 : i32
        %swap3A_435 = arith.index_cast %swap3A : i32 to index
        %swap3A_436 = arith.index_cast %mul3A_434 : i32 to index
        %swap3A_437 = tpu.vector_load %arg8[%swap3A_435, %swap3A_436] {strides = array<i32>} : memref<2x128xi32, #tpu.memory_space<vmem>>, vector<1x16xi32>,
        %swap3A_438 = vector.shape_cast %swap3A_437 : vector<1x16xi32> to vector<16xi32>
        %swap3A_439 = vector.shape_cast %add3A_432 : vector<16xi32> to vector<1x16xi32>
        tpu.vector_store %arg8[%swap3A_435, %swap3A_436], %swap3A_439 {strides = array<i32>} : memref<2x128xi32, #tpu.memory_space<vmem>>, vector<1x16xi32>,
      }
      %scan3A_315 = arith.constant 8 : i32
      %scan3A_316 = arith.constant 0 : i32
      %scan3A_317 = arith.constant 0 : i32
      %scan3A_318 = arith.constant 8 : i32
      %scan3A_319 = arith.addi %scan3A_317, %scan3A_318 : i32
      %scan3A_320 = arith.constant 1 : i32
      scf.for %scan3A_386 = %scan3A_317 to %scan3A_319 step %scan3A_320  : i32 {
        %add3A_387 = arith.constant 8 : i32
        %add3A_388 = arith.addi %add3A_387, %scan3A_386 : i32
        %mul3A_389 = arith.constant 2 : i32
        %mul3A_390 = arith.muli %add3A_388, %mul3A_389 : i32
        %mul3A_391 = arith.constant 16 : i32
        %mul3A_392 = arith.muli %mul3A_390, %mul3A_391 : i32
        %multiple_of3A_393 = tpu.assume_multiple %mul3A_392, 16 : i32
        %get3A = arith.index_cast %multiple_of3A_393 : i32 to index
        %get3A_394 = tpu.vector_load %arg6[%get3A] {strides = array<i32>} : memref<512xi32, #tpu.memory_space<vmem>>, vector<16xi32>,
        %get3A_395 = vector.shape_cast %get3A_394 : vector<16xi32> to vector<16xi32>
        %add3A_396 = arith.constant 16 : i32
        %add3A_397 = arith.addi %multiple_of3A_393, %add3A_396 : i32
        %get3A_398 = arith.index_cast %add3A_397 : i32 to index
        %get3A_399 = tpu.vector_load %arg6[%get3A_398] {strides = array<i32>} : memref<512xi32, #tpu.memory_space<vmem>>, vector<16xi32>,
        %get3A_400 = vector.shape_cast %get3A_399 : vector<16xi32> to vector<16xi32>
        %get3A_401 = arith.index_cast %multiple_of3A_393 : i32 to index
        %get3A_402 = tpu.vector_load %arg7[%get3A_401] {strides = array<i32>} : memref<512xi32, #tpu.memory_space<vmem>>, vector<16xi32>,
        %get3A_403 = vector.shape_cast %get3A_402 : vector<16xi32> to vector<16xi32>
        %add3A_404 = arith.constant 16 : i32
        %add3A_405 = arith.addi %multiple_of3A_393, %add3A_404 : i32
        %get3A_406 = arith.index_cast %add3A_405 : i32 to index
        %get3A_407 = tpu.vector_load %arg7[%get3A_406] {strides = array<i32>} : memref<512xi32, #tpu.memory_space<vmem>>, vector<16xi32>,
        %get3A_408 = vector.shape_cast %get3A_407 : vector<16xi32> to vector<16xi32>
        %mul3A_409 = arith.constant 2 : i32
        %mul3A_410 = vector.broadcast %mul3A_409 : i32 to vector<16xi32>
        %mul3A_411 = arith.muli %get3A_395, %mul3A_410 : vector<16xi32>
        %add3A_412 = arith.addi %mul3A_411, %get3A_403 : vector<16xi32>
        %mul3A_413 = arith.constant 2 : i32
        %mul3A_414 = vector.broadcast %mul3A_413 : i32 to vector<16xi32>
        %mul3A_415 = arith.muli %get3A_400, %mul3A_414 : vector<16xi32>
        %add3A_416 = arith.addi %mul3A_415, %get3A_408 : vector<16xi32>
        %broadcast_in_dim3A = vector.shape_cast %and3A_7 : vector<16xi32> to vector<16x1xi32>
        %gather3A = vector.shape_cast %broadcast_in_dim3A : vector<16x1xi32> to vector<16xi32>
        %gather3A_417 = tpu.dynamic_gather %add3A_412[%gather3A] in [0] : vector<16xi32>, vector<16xi32> -> vector<16xi32>
        %broadcast_in_dim3A_418 = vector.shape_cast %and3A_7 : vector<16xi32> to vector<16x1xi32>
        %gather3A_419 = vector.shape_cast %broadcast_in_dim3A_418 : vector<16x1xi32> to vector<16xi32>
        %gather3A_420 = tpu.dynamic_gather %add3A_416[%gather3A_419] in [0] : vector<16xi32>, vector<16xi32> -> vector<16xi32>
        %select_n3A_421 = arith.select %lt3A_12, %gather3A_417, %gather3A_420 : vector<16xi1>, vector<16xi32>
        %broadcast_in_dim3A_422 = vector.shape_cast %add3A_10 : vector<16xi32> to vector<16x1xi32>
        %gather3A_423 = vector.shape_cast %broadcast_in_dim3A_422 : vector<16x1xi32> to vector<16xi32>
        %gather3A_424 = tpu.dynamic_gather %add3A_412[%gather3A_423] in [0] : vector<16xi32>, vector<16xi32> -> vector<16xi32>
        %broadcast_in_dim3A_425 = vector.shape_cast %add3A_10 : vector<16xi32> to vector<16x1xi32>
        %gather3A_426 = vector.shape_cast %broadcast_in_dim3A_425 : vector<16x1xi32> to vector<16xi32>
        %gather3A_427 = tpu.dynamic_gather %add3A_416[%gather3A_426] in [0] : vector<16xi32>, vector<16xi32> -> vector<16xi32>
        %select_n3A_428 = arith.select %lt3A_12, %gather3A_424, %gather3A_427 : vector<16xi1>, vector<16xi32>
        %mul3A_429 = arith.constant 6 : i32
        %mul3A_430 = vector.broadcast %mul3A_429 : i32 to vector<16xi32>
        %mul3A_431 = arith.muli %select_n3A_421, %mul3A_430 : vector<16xi32>
        %add3A_432 = arith.addi %mul3A_431, %select_n3A_428 : vector<16xi32>
        %mul3A_433 = arith.constant 16 : i32
        %mul3A_434 = arith.muli %scan3A_386, %mul3A_433 : i32
        %swap3A = arith.constant 1 : i32
        %swap3A_435 = arith.index_cast %swap3A : i32 to index
        %swap3A_436 = arith.index_cast %mul3A_434 : i32 to index
        %swap3A_437 = tpu.vector_load %arg8[%swap3A_435, %swap3A_436] {strides = array<i32>} : memref<2x128xi32, #tpu.memory_space<vmem>>, vector<1x16xi32>,
        %swap3A_438 = vector.shape_cast %swap3A_437 : vector<1x16xi32> to vector<16xi32>
        %swap3A_439 = vector.shape_cast %add3A_432 : vector<16xi32> to vector<1x16xi32>
        tpu.vector_store %arg8[%swap3A_435, %swap3A_436], %swap3A_439 {strides = array<i32>} : memref<2x128xi32, #tpu.memory_space<vmem>>, vector<1x16xi32>,
      }
      %scan3A_321 = arith.constant 8 : i32
      %add3A_322 = arith.constant 1 : i32
      %add3A_323 = arith.addi %add3A_298, %add3A_322 : i32
      %lt3A_324 = arith.constant 200 : i32
      %lt3A_325 = arith.cmpi slt, %add3A_323, %lt3A_324 : i32
      %jit3A_326 = arith.constant 0 : i32
      %select_n3A_327 = arith.select %lt3A_325, %add3A_323, %jit3A_326 : i32
      %mul3A_328 = arith.constant 256 : i32
      %mul3A_329 = arith.muli %select_n3A_327, %mul3A_328 : i32
      %add3A_330 = arith.addi %mul3A_2, %mul3A_329 : i32
      %mul3A_331 = arith.constant 2 : i32
      %mul3A_332 = arith.muli %add3A_330, %mul3A_331 : i32
      %multiple_of3A_333 = tpu.assume_multiple %mul3A_332, 512 : i32
      %dma_start3A_334 = tpu.memref_slice %arg3[%multiple_of3A_333] : memref<3276800xi32, #tpu.memory_space<hbm>> -> memref<512xi32, #tpu.memory_space<hbm>>
      %dma_start3A_335 = tpu.memref_slice %arg3[%multiple_of3A_333] : memref<3276800xi32, #tpu.memory_space<hbm>> -> memref<512xi32, #tpu.memory_space<hbm>>
      tpu.enqueue_dma source(%dma_start3A_335 : memref<512xi32, #tpu.memory_space<hbm>>) target(%arg6 : memref<512xi32, #tpu.memory_space<vmem>>) target_semaphore(%arg12 : memref<!tpu.dma_semaphore, #tpu.memory_space<semaphore_mem>>)
      %dma_start3A_336 = tpu.memref_slice %arg4[%multiple_of3A_333] : memref<3276800xi32, #tpu.memory_space<hbm>> -> memref<512xi32, #tpu.memory_space<hbm>>
      %dma_start3A_337 = tpu.memref_slice %arg4[%multiple_of3A_333] : memref<3276800xi32, #tpu.memory_space<hbm>> -> memref<512xi32, #tpu.memory_space<hbm>>
      tpu.enqueue_dma source(%dma_start3A_337 : memref<512xi32, #tpu.memory_space<hbm>>) target(%arg7 : memref<512xi32, #tpu.memory_space<vmem>>) target_semaphore(%arg12 : memref<!tpu.dma_semaphore, #tpu.memory_space<semaphore_mem>>)
      %dma_wait3A_338 = arith.constant 0 : i32
      %dma_wait3A_339 = tpu.memref_slice %arg5[%multiple_of3A_302, %dma_wait3A_338] : memref<1638400x128xf32, #tpu.memory_space<hbm>> -> memref<256x128xf32, #tpu.memory_space<hbm>>
      %dma_wait3A_340 = arith.constant 0 : i32
      %dma_wait3A_341 = tpu.memref_slice %arg5[%multiple_of3A_302, %dma_wait3A_340] : memref<1638400x128xf32, #tpu.memory_space<hbm>> -> memref<256x128xf32, #tpu.memory_space<hbm>>
      tpu.wait_dma2 semaphore(%arg15 : memref<!tpu.dma_semaphore, #tpu.memory_space<semaphore_mem>>) src(%arg10 : memref<256x128xf32, #tpu.memory_space<vmem>>) dst(%dma_wait3A_341 : memref<256x128xf32, #tpu.memory_space<hbm>>)
      %dma_start3A_342 = arith.constant 0 : i32
      %dma_start3A_343 = arith.constant 0 : i32
      %dma_start3A_344 = arith.constant 0 : i32
      %dma_start3A_345 = tpu.memref_slice %arg10[%dma_start3A_343, %dma_start3A_344] : memref<256x128xf32, #tpu.memory_space<vmem>> -> memref<128x128xf32, #tpu.memory_space<vmem>>
      %dma_start3A_346 = arith.constant 0 : i32
      %dma_start3A_347 = tpu.memref_slice %arg8[%dma_start3A_342, %dma_start3A_346] : memref<2x128xi32, #tpu.memory_space<vmem>> -> memref<1x128xi32, #tpu.memory_space<vmem>>
      %dma_start3A_348 = tpu.memref_squeeze %dma_start3A_347 : memref<1x128xi32, #tpu.memory_space<vmem>> -> memref<128xi32, #tpu.memory_space<vmem>>
      %dma_start3A_349 = arith.constant 0 : i32
      %dma_start3A_350 = arith.constant 0 : i32
      %dma_start3A_351 = tpu.memref_slice %arg11[%dma_start3A_349, %dma_start3A_350] : memref<36x128xf32, #tpu.memory_space<vmem_shared>> -> memref<36x128xf32, #tpu.memory_space<vmem_shared>>
      tpu.enqueue_indirect_dma source(%dma_start3A_351 : memref<36x128xf32, #tpu.memory_space<vmem_shared>>) target(%dma_start3A_345 : memref<128x128xf32, #tpu.memory_space<vmem>>) offsets(%dma_start3A_348 : memref<128xi32, #tpu.memory_space<vmem>>) semaphore(%arg13 : memref<!tpu.dma_semaphore, #tpu.memory_space<semaphore_mem>>)
      %dma_start3A_352 = arith.constant 1 : i32
      %dma_start3A_353 = arith.constant 128 : i32
      %dma_start3A_354 = arith.constant 0 : i32
      %dma_start3A_355 = tpu.memref_slice %arg10[%dma_start3A_353, %dma_start3A_354] : memref<256x128xf32, #tpu.memory_space<vmem>> -> memref<128x128xf32, #tpu.memory_space<vmem>>
      %dma_start3A_356 = arith.constant 0 : i32
      %dma_start3A_357 = tpu.memref_slice %arg8[%dma_start3A_352, %dma_start3A_356] : memref<2x128xi32, #tpu.memory_space<vmem>> -> memref<1x128xi32, #tpu.memory_space<vmem>>
      %dma_start3A_358 = tpu.memref_squeeze %dma_start3A_357 : memref<1x128xi32, #tpu.memory_space<vmem>> -> memref<128xi32, #tpu.memory_space<vmem>>
      %dma_start3A_359 = arith.constant 0 : i32
      %dma_start3A_360 = arith.constant 0 : i32
      %dma_start3A_361 = tpu.memref_slice %arg11[%dma_start3A_359, %dma_start3A_360] : memref<36x128xf32, #tpu.memory_space<vmem_shared>> -> memref<36x128xf32, #tpu.memory_space<vmem_shared>>
      tpu.enqueue_indirect_dma source(%dma_start3A_361 : memref<36x128xf32, #tpu.memory_space<vmem_shared>>) target(%dma_start3A_355 : memref<128x128xf32, #tpu.memory_space<vmem>>) offsets(%dma_start3A_358 : memref<128xi32, #tpu.memory_space<vmem>>) semaphore(%arg13 : memref<!tpu.dma_semaphore, #tpu.memory_space<semaphore_mem>>)
      %dma_wait3A_362 = arith.constant 0 : i32
      %dma_wait3A_363 = arith.constant 0 : i32
      %dma_wait3A_364 = arith.constant 0 : i32
      %dma_wait3A_365 = tpu.memref_slice %arg10[%dma_wait3A_363, %dma_wait3A_364] : memref<256x128xf32, #tpu.memory_space<vmem>> -> memref<128x128xf32, #tpu.memory_space<vmem>>
      %dma_wait3A_366 = arith.constant 0 : i32
      %dma_wait3A_367 = tpu.memref_slice %arg8[%dma_wait3A_362, %dma_wait3A_366] : memref<2x128xi32, #tpu.memory_space<vmem>> -> memref<1x128xi32, #tpu.memory_space<vmem>>
      %dma_wait3A_368 = tpu.memref_squeeze %dma_wait3A_367 : memref<1x128xi32, #tpu.memory_space<vmem>> -> memref<128xi32, #tpu.memory_space<vmem>>
      %dma_wait3A_369 = arith.constant 0 : i32
      %dma_wait3A_370 = arith.constant 0 : i32
      %dma_wait3A_371 = tpu.memref_slice %arg11[%dma_wait3A_369, %dma_wait3A_370] : memref<36x128xf32, #tpu.memory_space<vmem_shared>> -> memref<36x128xf32, #tpu.memory_space<vmem_shared>>
      tpu.wait_indirect_dma semaphore(%arg13 : memref<!tpu.dma_semaphore, #tpu.memory_space<semaphore_mem>>) src(%dma_wait3A_371 : memref<36x128xf32, #tpu.memory_space<vmem_shared>>) dst(%dma_wait3A_365 : memref<128x128xf32, #tpu.memory_space<vmem>>)
      %dma_wait3A_372 = arith.constant 1 : i32
      %dma_wait3A_373 = arith.constant 128 : i32
      %dma_wait3A_374 = arith.constant 0 : i32
      %dma_wait3A_375 = tpu.memref_slice %arg10[%dma_wait3A_373, %dma_wait3A_374] : memref<256x128xf32, #tpu.memory_space<vmem>> -> memref<128x128xf32, #tpu.memory_space<vmem>>
      %dma_wait3A_376 = arith.constant 0 : i32
      %dma_wait3A_377 = tpu.memref_slice %arg8[%dma_wait3A_372, %dma_wait3A_376] : memref<2x128xi32, #tpu.memory_space<vmem>> -> memref<1x128xi32, #tpu.memory_space<vmem>>
      %dma_wait3A_378 = tpu.memref_squeeze %dma_wait3A_377 : memref<1x128xi32, #tpu.memory_space<vmem>> -> memref<128xi32, #tpu.memory_space<vmem>>
      %dma_wait3A_379 = arith.constant 0 : i32
      %dma_wait3A_380 = arith.constant 0 : i32
      %dma_wait3A_381 = tpu.memref_slice %arg11[%dma_wait3A_379, %dma_wait3A_380] : memref<36x128xf32, #tpu.memory_space<vmem_shared>> -> memref<36x128xf32, #tpu.memory_space<vmem_shared>>
      tpu.wait_indirect_dma semaphore(%arg13 : memref<!tpu.dma_semaphore, #tpu.memory_space<semaphore_mem>>) src(%dma_wait3A_381 : memref<36x128xf32, #tpu.memory_space<vmem_shared>>) dst(%dma_wait3A_375 : memref<128x128xf32, #tpu.memory_space<vmem>>)
      %dma_start3A_382 = arith.constant 0 : i32
      %dma_start3A_383 = tpu.memref_slice %arg5[%multiple_of3A_302, %dma_start3A_382] : memref<1638400x128xf32, #tpu.memory_space<hbm>> -> memref<256x128xf32, #tpu.memory_space<hbm>>
      %dma_start3A_384 = arith.constant 0 : i32
      %dma_start3A_385 = tpu.memref_slice %arg5[%multiple_of3A_302, %dma_start3A_384] : memref<1638400x128xf32, #tpu.memory_space<hbm>> -> memref<256x128xf32, #tpu.memory_space<hbm>>
      tpu.enqueue_dma source(%arg10 : memref<256x128xf32, #tpu.memory_space<vmem>>) target(%dma_start3A_385 : memref<256x128xf32, #tpu.memory_space<hbm>>) target_semaphore(%arg15 : memref<!tpu.dma_semaphore, #tpu.memory_space<semaphore_mem>>)
    }
    %scan3A_188 = arith.constant 99 : i32
    %multiple_of3A_189 = tpu.assume_multiple %mul3A_2, 256 : i32
    %mul3A_190 = arith.constant 2 : i32
    %mul3A_191 = arith.muli %multiple_of3A_189, %mul3A_190 : i32
    %multiple_of3A_192 = tpu.assume_multiple %mul3A_191, 512 : i32
    %dma_wait3A_193 = tpu.memref_slice %arg3[%multiple_of3A_192] : memref<3276800xi32, #tpu.memory_space<hbm>> -> memref<512xi32, #tpu.memory_space<hbm>>
    %dma_wait3A_194 = tpu.memref_slice %arg3[%multiple_of3A_192] : memref<3276800xi32, #tpu.memory_space<hbm>> -> memref<512xi32, #tpu.memory_space<hbm>>
    tpu.wait_dma2 semaphore(%arg12 : memref<!tpu.dma_semaphore, #tpu.memory_space<semaphore_mem>>) src(%dma_wait3A_194 : memref<512xi32, #tpu.memory_space<hbm>>) dst(%arg6 : memref<512xi32, #tpu.memory_space<vmem>>)
    %dma_wait3A_195 = tpu.memref_slice %arg4[%multiple_of3A_192] : memref<3276800xi32, #tpu.memory_space<hbm>> -> memref<512xi32, #tpu.memory_space<hbm>>
    %dma_wait3A_196 = tpu.memref_slice %arg4[%multiple_of3A_192] : memref<3276800xi32, #tpu.memory_space<hbm>> -> memref<512xi32, #tpu.memory_space<hbm>>
    tpu.wait_dma2 semaphore(%arg12 : memref<!tpu.dma_semaphore, #tpu.memory_space<semaphore_mem>>) src(%dma_wait3A_196 : memref<512xi32, #tpu.memory_space<hbm>>) dst(%arg7 : memref<512xi32, #tpu.memory_space<vmem>>)
    %dma_wait3A_197 = arith.constant 0 : i32
    %dma_wait3A_198 = tpu.memref_slice %arg5[%multiple_of3A_189, %dma_wait3A_197] : memref<1638400x128xf32, #tpu.memory_space<hbm>> -> memref<256x128xf32, #tpu.memory_space<hbm>>
    %dma_wait3A_199 = arith.constant 0 : i32
    %dma_wait3A_200 = tpu.memref_slice %arg5[%multiple_of3A_189, %dma_wait3A_199] : memref<1638400x128xf32, #tpu.memory_space<hbm>> -> memref<256x128xf32, #tpu.memory_space<hbm>>
    tpu.wait_dma2 semaphore(%arg14 : memref<!tpu.dma_semaphore, #tpu.memory_space<semaphore_mem>>) src(%arg9 : memref<256x128xf32, #tpu.memory_space<vmem>>) dst(%dma_wait3A_200 : memref<256x128xf32, #tpu.memory_space<hbm>>)
    %dma_wait3A_201 = arith.constant 0 : i32
    %dma_wait3A_202 = tpu.memref_slice %arg5[%multiple_of3A_189, %dma_wait3A_201] : memref<1638400x128xf32, #tpu.memory_space<hbm>> -> memref<256x128xf32, #tpu.memory_space<hbm>>
    %dma_wait3A_203 = arith.constant 0 : i32
    %dma_wait3A_204 = tpu.memref_slice %arg5[%multiple_of3A_189, %dma_wait3A_203] : memref<1638400x128xf32, #tpu.memory_space<hbm>> -> memref<256x128xf32, #tpu.memory_space<hbm>>
    tpu.wait_dma2 semaphore(%arg15 : memref<!tpu.dma_semaphore, #tpu.memory_space<semaphore_mem>>) src(%arg10 : memref<256x128xf32, #tpu.memory_space<vmem>>) dst(%dma_wait3A_204 : memref<256x128xf32, #tpu.memory_space<hbm>>)
    return
  }
}

</mosaic_0001>

<sc_bundles>
// kernel: kernel.3.cloned.1.call-start
scs
__scs_entry_jumppad:
0x0: {  	(pc) =	sbr.rel $0x88, $3  }
0x1: {  	(tag) =	ssettag $0x0;
	lr =	simm.s32 $0x1  }
0x2: {  	[smem:$0x3F9D] =	sst lr;
	_ =	strace $0xD0000000  }
0x3: {  	_ = 	snop  }
0x4: {  	_ = 	snop  }
0x5: {  	_ = 	snop  }
0x6: {  	_ = 	snop  }
0x7: {  	_ = 	snop  }
__scs_overlays_trampoline_lowered:
0x8: {  	[smem:$0x3FAC] =	sst s0  }
0x9: {  	[smem:$0x3FAD] =	sst s1  }
0xa: {  	[smem:$0x3FAE] =	sst s2  }
0xb: {  	[smem:$0x3FAF] =	sst s3  }
0xc: {  	[smem:$0x3FB0] =	sst s4  }
0xd: {  	[smem:$0x3FB1] =	sst s5  }
0xe: {  	[smem:$0x3FB2] =	sst s6  }
0xf: {  	[smem:$0x3FB3] =	sst s7  }
0x10: {  	[smem:$0x3FB4] =	sst s8  }
0x11: {  	[smem:$0x3FB5] =	sst s9;
	s0 =	simm.s32 @!p0 $0x0  }
0x12: {  	s1 =	sld [smem:$0x3F9B];
	s0 =	simm.s32 @p0 $0x1  }
0x13: {  	[smem:$0x3FB6] =	sst s0;
	s0 =	simm.s32 @!p1 $0x0  }
0x14: {  	s2 =	sld [smem:$0x3F9A];
	s0 =	simm.s32 @p1 $0x1  }
0x15: {  	[smem:$0x3FB7] =	sst s0;
	s0 =	simm.s32 @!p2 $0x0  }
0x16: {  	s3 =	sld [smem:$0x3FDB];
	s0 =	simm.s32 @p2 $0x1  }
0x17: {  	s4 =	simm.s32 $0x1BF5;
	[smem:$0x3FB9] =	sst s0  }
0x18: {  	s0 =	sld [smem:$0x3F9C];
	_ =	swait.ge [sflag:s4], $0x0  }
0x19: {  	s7 =	sld [smem:$0x3F9D]  }
0x1a: {  	s8 =	sadd.s32 $0xFFFFE003, lr  }
0x1b: {  	s9 =	sadd.s32 $0xFFFFFEF7, lr;
	s5 =	simm.s32 $0xFFFFFFFF;
	p2 =	slt.u32 s8, $0xFFFFF086  }
0x1c: {  	p1 =	slt.u32 s9, $0xF7A;
	s5 =	simm.s32 @!p2 $0x0  }
0x1d: {  	s5 =	simm.s32 @p1 $0x1;
	p0 =	seq.s32 s7, s2  }
0x1e: {  	s7 =	smul.u32 @!p0 $0xF7A, s2;
	p2 =	seq.s32 @!p0 s5, $0x0  }
0x1f: {  	s9 =	smul.u32 $0xF7A, s1;
	s8 =	simm.s32 @!p0 $0x1BF5;
	p2 =	por !p2, p0  }
0x20: {  	[sflag:s8] =	ssyncset.s32 @!p0 $0xFFFFF086;
	s6 =	sadd.s32 @!p0 s3, s7;
	s7 =	simm.s32 @!p0 $0x108  }
0x21: {  	s3 =	sadd.s32 s3, s9;
	s6 =	sadd.s32 @!p0 $0x88, s6;
	s7 =	simm.s32 @p2 $0x1082  }
0x22: {  	[simem:s7], [sflag:s8] =	dma.local @!p0 [hbm:s6], $0xF7A  }
0x23: {  	s9 =	sor.u32 $0xD0000000, s2;
	s6 =	simm.s32 $0x108;
	_ =	swait.ge @!p0 [sflag:s8], $0x0  }
0x24: {  	s3 =	sadd.s32 $0x88, s3;
	s6 =	simm.s32 @!p1 $0x1082;
	[sflag:s4] =	ssyncset.s32 $0xFFFFF086  }
0x25: {  	[simem:s6], [sflag:s4] =	dma.local [hbm:s3], $0xF7A  }
0x26: {  	[smem:$0x3F9D] =	sst s1;
	(tag) =	ssettag s2;
	_ =	strace s9  }
0x27: {  	s1 =	sld [smem:$0x3FAD]  }
0x28: {  	s2 =	sld [smem:$0x3FAE]  }
0x29: {  	s4 =	sld [smem:$0x3FB0]  }
0x2a: {  	p0 =	seq.s32 s5, $0x0;
	s5 =	sld [smem:$0x3FB1]  }
0x2b: {  	s6 =	sld [smem:$0x3FB2]  }
0x2c: {  	s7 =	sld [smem:$0x3FB3]  }
0x2d: {  	s3 =	simm.s32 $0x108;
	s8 =	sld [smem:$0x3FB4]  }
0x2e: {  	s3 =	simm.s32 @!p0 $0x1082;
	s9 =	sld [smem:$0x3FB5]  }
0x2f: {  	lr =	sadd.s32 s0, s3;
	s0 =	sld [smem:$0x3FAC]  }
0x30: {  	s3 =	sld [smem:$0x3FAF]  }
0x31: {  	[smem:$0x3FB8] =	sst s10  }
0x32: {  	s10 =	sld [smem:$0x3FB6];
	_ =	sdelay $0x3  }
0x33: {  	p0 =	seq.s32 s10, $0x1;
	s10 =	sld [smem:$0x3FB8];
	_ =	sdelay $0x3  }
0x34: {  	[smem:$0x3FB8] =	sst s10  }
0x35: {  	s10 =	sld [smem:$0x3FB7];
	_ =	sdelay $0x3  }
0x36: {  	p1 =	seq.s32 s10, $0x1;
	s10 =	sld [smem:$0x3FB8];
	_ =	sdelay $0x3  }
0x37: {  	[smem:$0x3FB8] =	sst s10  }
0x38: {  	s10 =	sld [smem:$0x3FB9]  }
0x39: {  	_ = 	snop;
	(pc) =	sbr.ind lr, $3  }
0x3a: {  	_ = 	snop  }
0x3b: {  	_ = 	snop  }
0x3c: {  	p2 =	seq.s32 s10, $0x1;
	s10 =	sld [smem:$0x3FB8]  }
0x3d: {  	_ =	shalt  }
0x3e: {  	_ =	shalt  }
0x3f: {  	_ =	shalt  }
0x40: {  	_ =	shalt  }
0x41: {  	_ =	shalt  }
0x42: {  	_ =	shalt  }
0x43: {  	_ =	shalt  }
0x44: {  	_ =	shalt  }
0x45: {  	_ =	shalt  }
0x46: {  	_ =	shalt  }
0x47: {  	_ =	shalt  }
0x48: {  	_ =	shalt  }
0x49: {  	_ =	shalt  }
0x4a: {  	_ =	shalt  }
0x4b: {  	_ =	shalt  }
0x4c: {  	_ =	shalt  }
0x4d: {  	_ =	shalt  }
0x4e: {  	_ =	shalt  }
0x4f: {  	_ =	shalt  }
0x50: {  	_ =	shalt  }
0x51: {  	_ =	shalt  }
0x52: {  	_ =	shalt  }
0x53: {  	_ =	shalt  }
0x54: {  	_ =	shalt  }
0x55: {  	_ =	shalt  }
0x56: {  	_ =	shalt  }
0x57: {  	_ =	shalt  }
0x58: {  	_ =	shalt  }
0x59: {  	_ =	shalt  }
0x5a: {  	_ =	shalt  }
0x5b: {  	_ =	shalt  }
0x5c: {  	_ =	shalt  }
0x5d: {  	_ =	shalt  }
0x5e: {  	_ =	shalt  }
0x5f: {  	_ =	shalt  }
0x60: {  	_ =	shalt  }
0x61: {  	_ =	shalt  }
0x62: {  	_ =	shalt  }
0x63: {  	_ =	shalt  }
0x64: {  	_ =	shalt  }
0x65: {  	_ =	shalt  }
0x66: {  	_ =	shalt  }
0x67: {  	_ =	shalt  }
0x68: {  	_ =	shalt  }
0x69: {  	_ =	shalt  }
0x6a: {  	_ =	shalt  }
0x6b: {  	_ =	shalt  }
0x6c: {  	_ =	shalt  }
0x6d: {  	_ =	shalt  }
0x6e: {  	_ =	shalt  }
0x6f: {  	_ =	shalt  }
0x70: {  	_ =	shalt  }
0x71: {  	_ =	shalt  }
0x72: {  	_ =	shalt  }
0x73: {  	_ =	shalt  }
0x74: {  	_ =	shalt  }
0x75: {  	_ =	shalt  }
0x76: {  	_ =	shalt  }
0x77: {  	_ =	shalt  }
0x78: {  	_ =	shalt  }
0x79: {  	_ =	shalt  }
0x7a: {  	_ =	shalt  }
0x7b: {  	_ =	shalt  }
0x7c: {  	_ =	shalt  }
0x7d: {  	_ =	shalt  }
0x7e: {  	_ =	shalt  }
0x7f: {  	_ =	shalt  }
0x80: {  	_ =	shalt  }
0x81: {  	_ =	shalt  }
0x82: {  	_ =	shalt  }
0x83: {  	_ =	shalt  }
0x84: {  	_ =	shalt  }
0x85: {  	_ =	shalt  }
0x86: {  	_ =	shalt  }
0x87: {  	_ =	shalt  }
.Lfunc_end0:
.L_simem_size_0:
called_computation.1_lowered:
.L_overlay_start_0:
0x88: {  	s2 =	sld [smem:$0x3FD9]  }
0x89: {  	s3 =	sld [smem:$0x3FFE];
	_ =	sdelay $0x1  }
0x8a: {  	s1 =	srdreg.scid  }
0x8b: {  	s0 =	sand.u32 $0x1, s1  }
0x8c: {  	s17 =	sshll.u32 s0, $0xA;
	s2 =	sadd.s32 s3, s2  }
0x8d: {  	s2 =	sadd.s32 s2, s17  }
0x8e: {  	[smem:$0x3FC4] =	sst s2  }
0x8f: {  	_ = 	snop  }
0x90: {  	s2 =	sld [smem:$0x3FD0];
	(tm) =	ssettm $0x1  }
0x91: {  	s18 =	sld [smem:$0x3FFB];
	_ =	sdelay $0x3  }
0x92: {  	_ =	strace s18  }
0x93: {  	s3 =	sld [smem:$0x3FFC];
	_ =	sdelay $0x3  }
0x94: {  	_ =	strace s3  }
0x95: {  	s3 =	sld [smem:$0x3FFD];
	_ =	sdelay $0x3  }
0x96: {  	_ =	strace s3  }
0x97: {  	_ =	strace $0x8FFFFFFF  }
0x98: {  	s19 =	sld [smem:$0x3FDB];
	_ =	sdelay $0x1  }
0x99: {  	s4 =	simm.s32 $_scs_section_size  }
0x9a: {  	s5 =	simm.s32 $_size__tile_overlayer_lowered;
	s6 =	simm.s32 $_tile_overlayer_lowered  }
0x9b: {  	s22 =	simm.s32 $0x1BFF;
	s21 =	sshll.u32 s6, $0x1;
	s3 =	sadd.s32 s4, s19  }
0x9c: {  	s7 =	simm.s32 $0x0;
	s20 =	sshll.u32 s5, $0x1;
	s5 =	sadd.s32 s21, s3  }
0x9d: {  	[timem:s7], [sflag:s22] =	dma.local [hbm:s5], s20  }
0x9e: {  	_ =	swait.ge [sflag:s22], s20  }
0x9f: {  	s4 =	ssub.s32 $0x0, s20;
	[sflag:s22] =	ssyncset.done $0x0  }
0xa0: {  	[sflag:s22] =	ssyncadd.s32 s4;
	_ =	sdelay $0x1  }
0xa1: {  	s23 =	simm.s32 $0x1B8B  }
0xa2: {  	_ =	swait.ge [sflag:s23], $0x1  }
0xa3: {  	[sflag:s23] =	ssyncset.done $0x0  }
0xa4: {  	s25 =	simm.s32 $0x1B8E;
	s24 =	sld [smem:$0x3FFE];
	[sflag:s23] =	ssyncadd.s32 $0xFFFFFFFF  }
0xa5: {  	s26 =	simm.s32 $execute0_lowered;
	[smem:$0x3FD2] =	sst s25  }
0xa6: {  	s5 =	sshll.u32 s26, $0x1;
	_ =	strace $0x80000046;
	[dreg:$0x1] =	wrdreg $0xFFFFFFFF  }
0xa7: {  	s28 =	simm.s32 $_size_execute0_lowered;
	s3 =	sadd.s32 s3, s5;
	[dreg:$0x0] =	wrdreg $0x0  }
0xa8: {  	s5 =	sshll.u32 s28, $0x1;
	[dreg:$0x2] =	wrdreg s3  }
0xa9: {  	[dreg:$0x3] =	wrdreg s5  }
0xaa: {  	[dreg:$0x4] =	wrdreg $0xC0  }
0xab: {  	_ =	task [dreg:s7], $0x5FFFF  }
0xac: {  	[dreg:$0x1] =	wrdreg $0xFFFFFFFF  }
0xad: {  	[dreg:$0x0] =	wrdreg $0x60  }
0xae: {  	[dreg:$0x2] =	wrdreg s24  }
0xaf: {  	[dreg:$0x3] =	wrdreg s2  }
0xb0: {  	[dreg:$0x4] =	wrdreg $0x105000  }
0xb1: {  	[dreg:$0x5] =	wrdreg $0x9  }
0xb2: {  	_ =	task.clear_ibuf [dreg:s7], $0x6FFFF;
	_ =	strace $0x90000046  }
0xb3: {  	s29 =	simm.s32 $0x9;
	_ =	strace $0x80000048  }
0xb4: {  	_ =	swait.ge [sflag:s29], $0x1  }
0xb5: {  	[sflag:s29] =	ssyncadd.s32 $0xFFFFFFFF  }
0xb6: {  	_ =	strace $0x90000048  }
0xb7: {  	_ =	sfence  }
0xb8: {  	s30 =	sld [smem:$0x0];
	_ =	sdelay $0x2  }
0xb9: {  	s31 =	sshll.u32 s1, $0xD;
	s1 =	sshrl.u32 s1, $0x2  }
0xba: {  	s3 =	sand.u32 $0x4000, s31;
	s1 =	sadd.s32 s1, s30  }
0xbb: {  	s0 =	sor.u32 s3, s0;
	s1 =	sshll.u32 s1, $0x11  }
0xbc: {  	s0 =	sor.u32 s1, s0  }
0xbd: {  	s0 =	sadd.s32 $0x8F2B, s0  }
0xbe: {  	[sflag:s0] =	ssyncadd.remote.s32 $0x1  }
0xbf: {  	_ =	sfence.sel $0xFFFF  }
0xc0: {  	[dreg:$0x0] =	wrdreg $0xFFFFFFFF;
	(pc) =	sbr.abs _section_cstart, $3  }
0xc1: {  	[dreg:$0x1] =	wrdreg $0xFFFFFFFF  }
0xc2: {  	_ =	task.clear_ibuf [dreg:s7], $0x2FFFF;
	_ =	strace $0x9FFFFFFF  }
0xc3: {  	(tm) =	ssettm $0x7FFFFFFF  }
tec
execute0_lowered:
.L_overlay_start_1:
0x0: {  	(tag) =	ssettag $0x1  }
0x1: {  	s0 =	rddreg [dreg:$0x0]  }
0x2: {  	s1 =	rddreg [dreg:$0x1]  }
0x3: {  	s2 =	rddreg [dreg:$0x2];
	s4 =	srdreg.scid  }
0x4: {  	s8 =	stileid.u32;
	s3 =	simm.s32 $0x0;
	s28 =	simm.s32 $0x8500  }
0x5: {  	s29 =	simm.s32 $0xC500;
	s30 =	simm.s32 $0x3;
	s31 =	simm.s32 $0x4  }
0x6: {  	s4 =	sand.u32 $0x1, s4;
	s5 =	sshll.u32 s8, $0x1;
	[smem:$0x7FF] =	sst s3  }
0x7: {  	s19 =	sadd.s32 $0xC9800, s0;
	s6 =	sadd.s32 $0x1800, s0;
	s9 =	sor.u32 s4, s5  }
0x8: {  	s7 =	sadd.s32 $0x65800, s0;
	p0 =	sne.s32 s8, $0x0;
	s5 =	smul.u32 $0xC800, s9  }
0x9: {  	_ =	strace $0x80000047;
	[dreg:$0x4] =	wrdreg s19;
	s10 =	smul.u32 $0x3200, s9  }
0xa: {  	s20 =	ssub.s32 $0x2, s4;
	s18 =	sshrl.u32 @!p0 s2, $0x3;
	s12 =	smul.u32 $0xC8000, s9  }
0xb: {  	s19 =	simm.s32 $0x200;
	s4 =	sshrl.u32 s20, $0x1;
	s16 =	smul.u32 $0x640000, s9  }
0xc: {  	s0 =	ssub.s32 s20, s4;
	s20 =	simm.s32 $0x1;
	s11 =	sor.u32 $0x100, s5  }
0xd: {  	s13 =	sadd.s32 s6, s10;
	s22 =	sadd.s32 s7, s10;
	s24 =	sadd.s32 s1, s12  }
0xe: {  	s25 =	sor.u32 $0x80, s10;
	s17 =	smax.u32 s0, $0x1;
	[dreg:$0x5] =	wrdreg s13  }
0xf: {  	s0 =	simm.s32 $0x0;
	s21 =	sshrl.u32 s11, $0x2;
	[dreg:$0x6] =	wrdreg s22  }
0x10: {  	v0 =	vlaneseq.u32;
	[dreg:$0x9] =	wrdreg s24;
	s13 =	sadd.s32 s6, s25;
	s14 =	sadd.s32 s7, s25  }
0x11: {  	v0 =	vand.u32 $0x7, v0;
	s26 =	sshll.u32 s11, $0x4;
	s22 =	simm.s32 $0x500;
	s24 =	simm.s32 $0x4500  }
0x12: {  	v0 =	vmul.u32 $0x2, v0;
	s25 =	simm.s32 $0x2;
	s23 =	sadd.s32 s6, s21;
	s4 =	sadd.s32 s7, s21  }
0x13: {  	s15 =	sadd.s32 s1, s26;
	s21 =	simm.s32 $0x80;
	[dreg:$0x7] =	wrdreg s23  }
0x14: {  	vm0 =	vmmov $0xff;
	v1 =	vor.u32 $0x1, v0;
	s26 =	simm.s32 $0x400;
	[dreg:$0x8] =	wrdreg s4;
	s23 =	simm.s32 $0x480  }
.LBB2_1:
0x15: {  	s4 =	simm.s32 @!p0 $0x1C05;
	s8 =	rddreg [dreg:$0x4]  }
0x16: {  	[spmem:s18], [sflag:s4] =	dma.local @!p0 [hbm:s8], $0x240  }
0x17: {  	s4 =	simm.s32 @!p0 $0x5  }
0x18: {  	_ =	swait.ge @!p0 [sflag:s4], $0x240  }
0x19: {  	[sflag:s4] =	ssyncset.done @!p0 $0x0  }
0x1a: {  	[sflag:s4] =	ssyncadd.s32 @!p0 $0xFFFFFDC0  }
0x1b: {  	[bflag:$0x0] =	sbarrier.arrive $0xFFFF  }
0x1c: {  	s10 =	rddreg [dreg:$0x5]  }
0x1d: {  	[tilespmem:s3], [sflag:$0x1] =	stream.linear.gather [hbm4b:s10+s3], $0x200, $0x38;
	[tilespmem:$0x10620] =	vst v63  }
0x1e: {  	s11 =	rddreg [dreg:$0x6]  }
0x1f: {  	[tilespmem:s19], [sflag:$0x1] =	stream.linear.gather [hbm4b:s11+s3], $0x200, $0x38;
	[tilespmem:$0x10620] =	vst v63  }
0x20: {  	_ =	swait.ge [sflag:s20], $0x200  }
0x21: {  	[sflag:s20] =	ssyncset.done $0x0  }
0x22: {  	[sflag:s20] =	ssyncadd.s32 $0xFFFFFE00  }
0x23: {  	_ =	swait.ge [sflag:s20], $0x200  }
0x24: {  	[sflag:s20] =	ssyncset.done $0x0  }
0x25: {  	s12 =	simm.s32 $0x0;
	[sflag:s20] =	ssyncadd.s32 $0xFFFFFE00  }
0x26: {  	v2 =	vld [tilespmem:s12+$0x200]  }
0x27: {  	v3 =	vld [tilespmem:s12+$0x0]  }
0x28: {  	v4 =	vld [tilespmem:s12+$0x10]  }
0x29: {  	v5 =	vld [tilespmem:s12+$0x210];
	_ =	sdelay $0x3  }
0x2a: {  	v3 =	vshll.u32 v3, $0x1;
	v4 =	vshll.u32 v4, $0x1  }
0x2b: {  	v2 =	vadd.s32 v3, v2;
	v3 =	vadd.s32 v4, v5  }
0x2c: {  	v4 =	vperm.xlane v2, v0;
	v5 =	vperm.xlane v3, v0;
	_ =	sdelay $0x1  }
0x2d: {  	v2 =	vperm.xlane v2, v1;
	v3 =	vperm.xlane v3, v1;
	v4 =	vsel vm0, v4, v5  }
0x2e: {  	v4 =	vmul.u32 $0x6, v4  }
0x2f: {  	v2 =	vsel vm0, v2, v3  }
0x30: {  	v2 =	vadd.s32 v4, v2  }
0x31: {  	s9 =	simm.s32 $0x20;
	[tilespmem:s26+$0x0] =	vst v2  }
0x32: {  	v2 =	vld [tilespmem:s9+$0x200]  }
0x33: {  	s8 =	simm.s32 $0x100;
	s4 =	simm.s32 $0x400;
	v3 =	vld [tilespmem:s9+$0x0]  }
.LBB2_2:
0x34: {  	p1 =	sne.s32 s8, $0x380;
	v4 =	vld [tilespmem:s9+$0x10]  }
0x35: {  	v5 =	vld [tilespmem:s9+$0x210];
	_ =	sdelay $0x3  }
0x36: {  	v3 =	vshll.u32 v3, $0x1;
	v4 =	vshll.u32 v4, $0x1  }
0x37: {  	v2 =	vadd.s32 v3, v2;
	v3 =	vadd.s32 v4, v5  }
0x38: {  	v4 =	vperm.xlane v2, v0;
	v5 =	vperm.xlane v3, v0;
	_ =	sdelay $0x1  }
0x39: {  	v2 =	vperm.xlane v2, v1;
	v3 =	vperm.xlane v3, v1;
	v4 =	vsel vm0, v4, v5  }
0x3a: {  	v4 =	vmul.u32 $0x6, v4  }
.Ltmp0:
0x3b: {  	v2 =	vsel vm0, v2, v3;
	(pc) =	sbr.rel @p1 .LBB2_2-.Ltmp0, $4  }
0x3c: {  	s4 =	sadd.s32 $0x10, s4;
	v2 =	vadd.s32 v4, v2  }
0x3d: {  	s9 =	sshra.s32 s8, $0x2;
	[tilespmem:s4+$0x0] =	vst v2  }
0x3e: {  	v2 =	vld [tilespmem:s9+$0x200]  }
0x3f: {  	s8 =	sadd.s32 $0x80, s8;
	v3 =	vld [tilespmem:s9+$0x0]  }
0x40: {  	v4 =	vld [tilespmem:s9+$0x10]  }
0x41: {  	v5 =	vld [tilespmem:s9+$0x210];
	_ =	sdelay $0x3  }
0x42: {  	v3 =	vshll.u32 v3, $0x1;
	v4 =	vshll.u32 v4, $0x1  }
0x43: {  	v2 =	vadd.s32 v3, v2;
	v3 =	vadd.s32 v4, v5  }
0x44: {  	v4 =	vperm.xlane v2, v0;
	v5 =	vperm.xlane v3, v0;
	_ =	sdelay $0x1  }
0x45: {  	v2 =	vperm.xlane v2, v1;
	v3 =	vperm.xlane v3, v1;
	v4 =	vsel vm0, v4, v5  }
0x46: {  	v4 =	vmul.u32 $0x6, v4  }
0x47: {  	v2 =	vsel vm0, v2, v3  }
0x48: {  	s4 =	sadd.s32 $0x10, s4;
	v2 =	vadd.s32 v4, v2  }
0x49: {  	s12 =	simm.s32 $0x0;
	[tilespmem:s4+$0x0] =	vst v2  }
0x4a: {  	v2 =	vld [tilespmem:s12+$0x300]  }
0x4b: {  	v3 =	vld [tilespmem:s12+$0x100]  }
0x4c: {  	v4 =	vld [tilespmem:s12+$0x110]  }
0x4d: {  	v5 =	vld [tilespmem:s12+$0x310];
	_ =	sdelay $0x3  }
0x4e: {  	v3 =	vshll.u32 v3, $0x1;
	v4 =	vshll.u32 v4, $0x1  }
0x4f: {  	v2 =	vadd.s32 v3, v2;
	v3 =	vadd.s32 v4, v5  }
0x50: {  	v4 =	vperm.xlane v2, v0;
	v5 =	vperm.xlane v3, v0;
	_ =	sdelay $0x1  }
0x51: {  	v2 =	vperm.xlane v2, v1;
	v3 =	vperm.xlane v3, v1;
	v4 =	vsel vm0, v4, v5  }
0x52: {  	v4 =	vmul.u32 $0x6, v4  }
0x53: {  	v2 =	vsel vm0, v2, v3  }
0x54: {  	s4 =	simm.s32 $0x480;
	v2 =	vadd.s32 v4, v2  }
0x55: {  	s9 =	simm.s32 $0x20;
	[tilespmem:s4+$0x0] =	vst v2  }
0x56: {  	v2 =	vld [tilespmem:s9+$0x300]  }
0x57: {  	s8 =	simm.s32 $0x100;
	v3 =	vld [tilespmem:s9+$0x100]  }
.LBB2_4:
0x58: {  	p1 =	sne.s32 s8, $0x380;
	v4 =	vld [tilespmem:s9+$0x110]  }
0x59: {  	v5 =	vld [tilespmem:s9+$0x310];
	_ =	sdelay $0x3  }
0x5a: {  	v3 =	vshll.u32 v3, $0x1;
	v4 =	vshll.u32 v4, $0x1  }
0x5b: {  	v2 =	vadd.s32 v3, v2;
	v3 =	vadd.s32 v4, v5  }
0x5c: {  	v4 =	vperm.xlane v2, v0;
	v5 =	vperm.xlane v3, v0;
	_ =	sdelay $0x1  }
0x5d: {  	v2 =	vperm.xlane v2, v1;
	v3 =	vperm.xlane v3, v1;
	v4 =	vsel vm0, v4, v5  }
0x5e: {  	v4 =	vmul.u32 $0x6, v4  }
.Ltmp1:
0x5f: {  	v2 =	vsel vm0, v2, v3;
	(pc) =	sbr.rel @p1 .LBB2_4-.Ltmp1, $4  }
0x60: {  	s4 =	sadd.s32 $0x10, s4;
	v2 =	vadd.s32 v4, v2  }
0x61: {  	s9 =	sshra.s32 s8, $0x2;
	[tilespmem:s4+$0x0] =	vst v2  }
0x62: {  	v2 =	vld [tilespmem:s9+$0x300]  }
0x63: {  	s8 =	sadd.s32 $0x80, s8;
	v3 =	vld [tilespmem:s9+$0x100]  }
0x64: {  	v4 =	vld [tilespmem:s9+$0x110]  }
0x65: {  	v5 =	vld [tilespmem:s9+$0x310];
	_ =	sdelay $0x3  }
0x66: {  	v3 =	vshll.u32 v3, $0x1;
	v4 =	vshll.u32 v4, $0x1  }
0x67: {  	v2 =	vadd.s32 v3, v2;
	v3 =	vadd.s32 v4, v5  }
0x68: {  	v4 =	vperm.xlane v2, v0;
	v5 =	vperm.xlane v3, v0;
	_ =	sdelay $0x1  }
0x69: {  	v2 =	vperm.xlane v2, v1;
	v3 =	vperm.xlane v3, v1;
	v4 =	vsel vm0, v4, v5  }
0x6a: {  	v4 =	vmul.u32 $0x6, v4  }
0x6b: {  	v2 =	vsel vm0, v2, v3  }
0x6c: {  	s4 =	sadd.s32 $0x10, s4;
	v2 =	vadd.s32 v4, v2  }
0x6d: {  	s8 =	simm.s32 $0x0;
	s10 =	rddreg [dreg:$0x7];
	[tilespmem:s4+$0x0] =	vst v2  }
0x6e: {  	[tilespmem:s8], [sflag:$0x1] =	stream.linear.gather [hbm4b:s10+s8], $0x200, $0x38;
	[tilespmem:$0x10620] =	vst v63  }
0x6f: {  	s11 =	rddreg [dreg:$0x8]  }
0x70: {  	[tilespmem:s19], [sflag:$0x1] =	stream.linear.gather [hbm4b:s11+s8], $0x200, $0x38;
	[tilespmem:$0x10620] =	vst v63  }
0x71: {  	s4 =	simm.s32 $0x400  }
0x72: {  	[tilespmem:s22], [sflag:$0x2] =	stream.indirect.gather [spmem:s2], $0x80, s4, s21, $0xb8;
	[tilespmem:$0x10620] =	vst v63  }
0x73: {  	_ = 	snop  }
0x74: {  	[tilespmem:s24], [sflag:$0x2] =	stream.indirect.gather [spmem:s2], $0x80, s23, s21, $0xb8;
	[tilespmem:$0x10620] =	vst v63  }
0x75: {  	_ =	swait.ge [sflag:s25], $0x4000  }
0x76: {  	[sflag:s25] =	ssyncset.done $0x0  }
0x77: {  	[sflag:s25] =	ssyncadd.s32 $0xFFFFC000  }
0x78: {  	_ =	swait.ge [sflag:s25], $0x4000  }
0x79: {  	[sflag:s25] =	ssyncset.done $0x0  }
0x7a: {  	s12 =	rddreg [dreg:$0x9];
	[sflag:s25] =	ssyncadd.s32 $0xFFFFC000  }
0x7b: {  	[hbm4b:s12+s8] =	stream.linear.scatter [tilespmem:s22], [sflag:$0x3], $0x8000, $0x38;
	[tilespmem:$0x10620] =	vst v63  }
0x7c: {  	_ =	swait.ge [sflag:s20], $0x200  }
0x7d: {  	[sflag:s20] =	ssyncset.done $0x0  }
0x7e: {  	[sflag:s20] =	ssyncadd.s32 $0xFFFFFE00  }
0x7f: {  	_ =	swait.ge [sflag:s20], $0x200  }
0x80: {  	[sflag:s20] =	ssyncset.done $0x0  }
0x81: {  	s8 =	simm.s32 $0x0;
	[sflag:s20] =	ssyncadd.s32 $0xFFFFFE00  }
0x82: {  	v2 =	vld [tilespmem:s8+$0x200]  }
0x83: {  	v3 =	vld [tilespmem:s8+$0x0]  }
0x84: {  	v4 =	vld [tilespmem:s8+$0x10]  }
0x85: {  	v5 =	vld [tilespmem:s8+$0x210];
	_ =	sdelay $0x3  }
0x86: {  	v3 =	vshll.u32 v3, $0x1;
	v4 =	vshll.u32 v4, $0x1  }
0x87: {  	v2 =	vadd.s32 v3, v2;
	v3 =	vadd.s32 v4, v5  }
0x88: {  	v4 =	vperm.xlane v2, v0;
	v5 =	vperm.xlane v3, v0;
	_ =	sdelay $0x1  }
0x89: {  	v2 =	vperm.xlane v2, v1;
	v3 =	vperm.xlane v3, v1;
	v4 =	vsel vm0, v4, v5  }
0x8a: {  	v4 =	vmul.u32 $0x6, v4  }
0x8b: {  	v2 =	vsel vm0, v2, v3  }
0x8c: {  	v2 =	vadd.s32 v4, v2  }
0x8d: {  	s10 =	simm.s32 $0x20;
	[tilespmem:s4+$0x0] =	vst v2  }
0x8e: {  	v2 =	vld [tilespmem:s10+$0x200]  }
0x8f: {  	s9 =	simm.s32 $0x100;
	v3 =	vld [tilespmem:s10+$0x0]  }
.LBB2_6:
0x90: {  	p1 =	sne.s32 s9, $0x380;
	v4 =	vld [tilespmem:s10+$0x10]  }
0x91: {  	v5 =	vld [tilespmem:s10+$0x210];
	_ =	sdelay $0x3  }
0x92: {  	v3 =	vshll.u32 v3, $0x1;
	v4 =	vshll.u32 v4, $0x1  }
0x93: {  	v2 =	vadd.s32 v3, v2;
	v3 =	vadd.s32 v4, v5  }
0x94: {  	v4 =	vperm.xlane v2, v0;
	v5 =	vperm.xlane v3, v0;
	_ =	sdelay $0x1  }
0x95: {  	v2 =	vperm.xlane v2, v1;
	v3 =	vperm.xlane v3, v1;
	v4 =	vsel vm0, v4, v5  }
0x96: {  	v4 =	vmul.u32 $0x6, v4  }
.Ltmp2:
0x97: {  	v2 =	vsel vm0, v2, v3;
	(pc) =	sbr.rel @p1 .LBB2_6-.Ltmp2, $4  }
0x98: {  	s4 =	sadd.s32 $0x10, s4;
	v2 =	vadd.s32 v4, v2  }
0x99: {  	s10 =	sshra.s32 s9, $0x2;
	[tilespmem:s4+$0x0] =	vst v2  }
0x9a: {  	v2 =	vld [tilespmem:s10+$0x200]  }
0x9b: {  	s9 =	sadd.s32 $0x80, s9;
	v3 =	vld [tilespmem:s10+$0x0]  }
0x9c: {  	v4 =	vld [tilespmem:s10+$0x10]  }
0x9d: {  	v5 =	vld [tilespmem:s10+$0x210];
	_ =	sdelay $0x3  }
0x9e: {  	v3 =	vshll.u32 v3, $0x1;
	v4 =	vshll.u32 v4, $0x1  }
0x9f: {  	v2 =	vadd.s32 v3, v2;
	v3 =	vadd.s32 v4, v5  }
0xa0: {  	v4 =	vperm.xlane v2, v0;
	v5 =	vperm.xlane v3, v0;
	_ =	sdelay $0x1  }
0xa1: {  	v2 =	vperm.xlane v2, v1;
	v3 =	vperm.xlane v3, v1;
	v4 =	vsel vm0, v4, v5  }
0xa2: {  	v4 =	vmul.u32 $0x6, v4  }
0xa3: {  	v2 =	vsel vm0, v2, v3  }
0xa4: {  	s4 =	sadd.s32 $0x10, s4;
	v2 =	vadd.s32 v4, v2  }
0xa5: {  	[tilespmem:s4+$0x0] =	vst v2  }
0xa6: {  	v2 =	vld [tilespmem:s8+$0x300]  }
0xa7: {  	v3 =	vld [tilespmem:s8+$0x100]  }
0xa8: {  	v4 =	vld [tilespmem:s8+$0x110]  }
0xa9: {  	v5 =	vld [tilespmem:s8+$0x310];
	_ =	sdelay $0x3  }
0xaa: {  	v3 =	vshll.u32 v3, $0x1;
	v4 =	vshll.u32 v4, $0x1  }
0xab: {  	v2 =	vadd.s32 v3, v2;
	v3 =	vadd.s32 v4, v5  }
0xac: {  	v4 =	vperm.xlane v2, v0;
	v5 =	vperm.xlane v3, v0;
	_ =	sdelay $0x1  }
0xad: {  	v2 =	vperm.xlane v2, v1;
	v3 =	vperm.xlane v3, v1;
	v4 =	vsel vm0, v4, v5  }
0xae: {  	v4 =	vmul.u32 $0x6, v4  }
0xaf: {  	v2 =	vsel vm0, v2, v3  }
0xb0: {  	s4 =	simm.s32 $0x480;
	v2 =	vadd.s32 v4, v2  }
0xb1: {  	s9 =	simm.s32 $0x20;
	[tilespmem:s4+$0x0] =	vst v2  }
0xb2: {  	v2 =	vld [tilespmem:s9+$0x300]  }
0xb3: {  	s8 =	simm.s32 $0x100;
	v3 =	vld [tilespmem:s9+$0x100]  }
.LBB2_8:
0xb4: {  	p1 =	sne.s32 s8, $0x380;
	v4 =	vld [tilespmem:s9+$0x110]  }
0xb5: {  	v5 =	vld [tilespmem:s9+$0x310];
	_ =	sdelay $0x3  }
0xb6: {  	v3 =	vshll.u32 v3, $0x1;
	v4 =	vshll.u32 v4, $0x1  }
0xb7: {  	v2 =	vadd.s32 v3, v2;
	v3 =	vadd.s32 v4, v5  }
0xb8: {  	v4 =	vperm.xlane v2, v0;
	v5 =	vperm.xlane v3, v0;
	_ =	sdelay $0x1  }
0xb9: {  	v2 =	vperm.xlane v2, v1;
	v3 =	vperm.xlane v3, v1;
	v4 =	vsel vm0, v4, v5  }
0xba: {  	v4 =	vmul.u32 $0x6, v4  }
.Ltmp3:
0xbb: {  	v2 =	vsel vm0, v2, v3;
	(pc) =	sbr.rel @p1 .LBB2_8-.Ltmp3, $4  }
0xbc: {  	s4 =	sadd.s32 $0x10, s4;
	v2 =	vadd.s32 v4, v2  }
0xbd: {  	s9 =	sshra.s32 s8, $0x2;
	[tilespmem:s4+$0x0] =	vst v2  }
0xbe: {  	v2 =	vld [tilespmem:s9+$0x300]  }
0xbf: {  	s8 =	sadd.s32 $0x80, s8;
	v3 =	vld [tilespmem:s9+$0x100]  }
0xc0: {  	v4 =	vld [tilespmem:s9+$0x110]  }
0xc1: {  	v5 =	vld [tilespmem:s9+$0x310];
	_ =	sdelay $0x3  }
0xc2: {  	v3 =	vshll.u32 v3, $0x1;
	v4 =	vshll.u32 v4, $0x1  }
0xc3: {  	v2 =	vadd.s32 v3, v2;
	v3 =	vadd.s32 v4, v5  }
0xc4: {  	v63 =	vperm.xlane v2, v0;
	v5 =	vperm.xlane v3, v0;
	_ =	sdelay $0x1  }
0xc5: {  	v2 =	vperm.xlane v2, v1;
	v3 =	vperm.xlane v3, v1;
	v4 =	vsel vm0, v63, v5  }
0xc6: {  	v4 =	vmul.u32 $0x6, v4  }
0xc7: {  	v2 =	vsel vm0, v2, v3  }
0xc8: {  	s4 =	sadd.s32 $0x10, s4;
	v2 =	vadd.s32 v4, v2  }
0xc9: {  	[tilespmem:s4+$0x0] =	vst v2  }
0xca: {  	[tilespmem:s3], [sflag:$0x1] =	stream.linear.gather [hbm4b:s13+s3], $0x200, $0x38;
	[tilespmem:$0x10620] =	vst v63  }
0xcb: {  	_ = 	snop  }
0xcc: {  	[tilespmem:s19], [sflag:$0x1] =	stream.linear.gather [hbm4b:s14+s3], $0x200, $0x38;
	[tilespmem:$0x10620] =	vst v63  }
0xcd: {  	_ = 	snop  }
0xce: {  	[tilespmem:s28], [sflag:$0x2] =	stream.indirect.gather [spmem:s2], $0x80, s26, s21, $0xb8;
	[tilespmem:$0x10620] =	vst v63  }
0xcf: {  	_ = 	snop  }
0xd0: {  	[tilespmem:s29], [sflag:$0x2] =	stream.indirect.gather [spmem:s2], $0x80, s23, s21, $0xb8;
	[tilespmem:$0x10620] =	vst v63  }
0xd1: {  	_ =	swait.ge [sflag:s25], $0x4000  }
0xd2: {  	[sflag:s25] =	ssyncset.done $0x0  }
0xd3: {  	[sflag:s25] =	ssyncadd.s32 $0xFFFFC000  }
0xd4: {  	_ =	swait.ge [sflag:s25], $0x4000  }
0xd5: {  	[sflag:s25] =	ssyncset.done $0x0  }
0xd6: {  	s4 =	simm.s32 $0x1;
	[sflag:s25] =	ssyncadd.s32 $0xFFFFC000  }
0xd7: {  	[hbm4b:s15+s3] =	stream.linear.scatter [tilespmem:s28], [sflag:$0x4], $0x8000, $0x38;
	[tilespmem:$0x10620] =	vst v63  }
.LBB2_10:
0xd8: {  	_ =	swait.ge [sflag:s20], $0x200  }
0xd9: {  	[sflag:s20] =	ssyncset.done $0x0  }
0xda: {  	[sflag:s20] =	ssyncadd.s32 $0xFFFFFE00  }
0xdb: {  	_ =	swait.ge [sflag:s20], $0x200  }
0xdc: {  	[sflag:s20] =	ssyncset.done $0x0  }
0xdd: {  	s8 =	simm.s32 $0x0;
	[sflag:s20] =	ssyncadd.s32 $0xFFFFFE00  }
0xde: {  	v2 =	vld [tilespmem:s8+$0x200]  }
0xdf: {  	v3 =	vld [tilespmem:s8+$0x0]  }
0xe0: {  	v4 =	vld [tilespmem:s8+$0x10]  }
0xe1: {  	v5 =	vld [tilespmem:s8+$0x210];
	_ =	sdelay $0x3  }
0xe2: {  	v3 =	vshll.u32 v3, $0x1;
	v4 =	vshll.u32 v4, $0x1  }
0xe3: {  	v2 =	vadd.s32 v3, v2;
	v3 =	vadd.s32 v4, v5  }
0xe4: {  	v4 =	vperm.xlane v2, v0;
	v5 =	vperm.xlane v3, v0;
	_ =	sdelay $0x1  }
0xe5: {  	v2 =	vperm.xlane v2, v1;
	v3 =	vperm.xlane v3, v1;
	v4 =	vsel vm0, v4, v5  }
0xe6: {  	v4 =	vmul.u32 $0x6, v4  }
0xe7: {  	v2 =	vsel vm0, v2, v3  }
0xe8: {  	s9 =	simm.s32 $0x400;
	v2 =	vadd.s32 v4, v2  }
0xe9: {  	s11 =	simm.s32 $0x20;
	[tilespmem:s9+$0x0] =	vst v2  }
0xea: {  	v2 =	vld [tilespmem:s11+$0x200]  }
0xeb: {  	s10 =	simm.s32 $0x100;
	v3 =	vld [tilespmem:s11+$0x0]  }
.LBB2_11:
0xec: {  	p1 =	sne.s32 s10, $0x380;
	v4 =	vld [tilespmem:s11+$0x10]  }
0xed: {  	v5 =	vld [tilespmem:s11+$0x210];
	_ =	sdelay $0x3  }
0xee: {  	v3 =	vshll.u32 v3, $0x1;
	v4 =	vshll.u32 v4, $0x1  }
0xef: {  	v2 =	vadd.s32 v3, v2;
	v3 =	vadd.s32 v4, v5  }
0xf0: {  	v4 =	vperm.xlane v2, v0;
	v5 =	vperm.xlane v3, v0;
	_ =	sdelay $0x1  }
0xf1: {  	v2 =	vperm.xlane v2, v1;
	v3 =	vperm.xlane v3, v1;
	v4 =	vsel vm0, v4, v5  }
0xf2: {  	v4 =	vmul.u32 $0x6, v4  }
.Ltmp4:
0xf3: {  	v2 =	vsel vm0, v2, v3;
	(pc) =	sbr.rel @p1 .LBB2_11-.Ltmp4, $4  }
0xf4: {  	s9 =	sadd.s32 $0x10, s9;
	v2 =	vadd.s32 v4, v2  }
0xf5: {  	s11 =	sshra.s32 s10, $0x2;
	[tilespmem:s9+$0x0] =	vst v2  }
0xf6: {  	v2 =	vld [tilespmem:s11+$0x200]  }
0xf7: {  	s10 =	sadd.s32 $0x80, s10;
	v3 =	vld [tilespmem:s11+$0x0]  }
0xf8: {  	v4 =	vld [tilespmem:s11+$0x10]  }
0xf9: {  	v5 =	vld [tilespmem:s11+$0x210];
	_ =	sdelay $0x3  }
0xfa: {  	v3 =	vshll.u32 v3, $0x1;
	v4 =	vshll.u32 v4, $0x1  }
0xfb: {  	v2 =	vadd.s32 v3, v2;
	v3 =	vadd.s32 v4, v5  }
0xfc: {  	v4 =	vperm.xlane v2, v0;
	v5 =	vperm.xlane v3, v0;
	_ =	sdelay $0x1  }
0xfd: {  	v2 =	vperm.xlane v2, v1;
	v3 =	vperm.xlane v3, v1;
	v4 =	vsel vm0, v4, v5  }
0xfe: {  	v4 =	vmul.u32 $0x6, v4  }
0xff: {  	v2 =	vsel vm0, v2, v3  }
0x100: {  	s9 =	sadd.s32 $0x10, s9;
	v2 =	vadd.s32 v4, v2  }
0x101: {  	[tilespmem:s9+$0x0] =	vst v2  }
0x102: {  	v2 =	vld [tilespmem:s8+$0x300]  }
0x103: {  	v3 =	vld [tilespmem:s8+$0x100]  }
0x104: {  	v4 =	vld [tilespmem:s8+$0x110]  }
0x105: {  	v5 =	vld [tilespmem:s8+$0x310];
	_ =	sdelay $0x3  }
0x106: {  	v3 =	vshll.u32 v3, $0x1;
	v4 =	vshll.u32 v4, $0x1  }
0x107: {  	v2 =	vadd.s32 v3, v2;
	v3 =	vadd.s32 v4, v5  }
0x108: {  	v4 =	vperm.xlane v2, v0;
	v5 =	vperm.xlane v3, v0;
	_ =	sdelay $0x1  }
0x109: {  	v2 =	vperm.xlane v2, v1;
	v3 =	vperm.xlane v3, v1;
	v4 =	vsel vm0, v4, v5  }
0x10a: {  	v4 =	vmul.u32 $0x6, v4  }
0x10b: {  	v2 =	vsel vm0, v2, v3  }
0x10c: {  	s9 =	simm.s32 $0x480;
	v2 =	vadd.s32 v4, v2  }
0x10d: {  	s10 =	simm.s32 $0x20;
	[tilespmem:s9+$0x0] =	vst v2  }
0x10e: {  	v2 =	vld [tilespmem:s10+$0x300]  }
0x10f: {  	s8 =	simm.s32 $0x100;
	v3 =	vld [tilespmem:s10+$0x100]  }
.LBB2_13:
0x110: {  	p1 =	sne.s32 s8, $0x380;
	v4 =	vld [tilespmem:s10+$0x110]  }
0x111: {  	v5 =	vld [tilespmem:s10+$0x310];
	_ =	sdelay $0x3  }
0x112: {  	v3 =	vshll.u32 v3, $0x1;
	v4 =	vshll.u32 v4, $0x1  }
0x113: {  	v2 =	vadd.s32 v3, v2;
	v3 =	vadd.s32 v4, v5  }
0x114: {  	v4 =	vperm.xlane v2, v0;
	v5 =	vperm.xlane v3, v0;
	_ =	sdelay $0x1  }
0x115: {  	v2 =	vperm.xlane v2, v1;
	v3 =	vperm.xlane v3, v1;
	v4 =	vsel vm0, v4, v5  }
0x116: {  	v4 =	vmul.u32 $0x6, v4  }
.Ltmp5:
0x117: {  	v2 =	vsel vm0, v2, v3;
	(pc) =	sbr.rel @p1 .LBB2_13-.Ltmp5, $4  }
0x118: {  	s9 =	sadd.s32 $0x10, s9;
	v2 =	vadd.s32 v4, v2  }
0x119: {  	s10 =	sshra.s32 s8, $0x2;
	[tilespmem:s9+$0x0] =	vst v2  }
0x11a: {  	v2 =	vld [tilespmem:s10+$0x300]  }
0x11b: {  	s8 =	sadd.s32 $0x80, s8;
	v3 =	vld [tilespmem:s10+$0x100]  }
0x11c: {  	v4 =	vld [tilespmem:s10+$0x110]  }
0x11d: {  	v5 =	vld [tilespmem:s10+$0x310];
	_ =	sdelay $0x3  }
0x11e: {  	v3 =	vshll.u32 v3, $0x1;
	v4 =	vshll.u32 v4, $0x1  }
0x11f: {  	v2 =	vadd.s32 v3, v2;
	v3 =	vadd.s32 v4, v5  }
0x120: {  	v4 =	vperm.xlane v2, v0;
	v5 =	vperm.xlane v3, v0;
	_ =	sdelay $0x1  }
0x121: {  	s8 =	sshllo.u32 s4, $0x1;
	v2 =	vperm.xlane v2, v1;
	v3 =	vperm.xlane v3, v1;
	v4 =	vsel vm0, v4, v5  }
0x122: {  	s11 =	sshll.u32 s8, $0x8;
	v4 =	vmul.u32 $0x6, v4  }
0x123: {  	s10 =	sadd.s32 s5, s11;
	v2 =	vsel vm0, v2, v3  }
0x124: {  	s9 =	sadd.s32 $0x10, s9;
	s10 =	sshrl.u32 s10, $0x2;
	v2 =	vadd.s32 v4, v2  }
0x125: {  	s11 =	simm.s32 $0x0;
	s12 =	sadd.s32 s6, s10;
	[tilespmem:s9+$0x0] =	vst v2  }
0x126: {  	[tilespmem:s11], [sflag:$0x1] =	stream.linear.gather [hbm4b:s12+s11], $0x200, $0x38;
	[tilespmem:$0x10620] =	vst v63  }
0x127: {  	s10 =	sadd.s32 s7, s10  }
0x128: {  	[tilespmem:s19], [sflag:$0x1] =	stream.linear.gather [hbm4b:s10+s11], $0x200, $0x38;
	[tilespmem:$0x10620] =	vst v63  }
0x129: {  	_ =	swait.ge [sflag:s30], $0x8000  }
0x12a: {  	[sflag:s30] =	ssyncset.done $0x0  }
0x12b: {  	s9 =	simm.s32 $0x400;
	[sflag:s30] =	ssyncadd.s32 $0xFFFF8000  }
0x12c: {  	[tilespmem:s22], [sflag:$0x2] =	stream.indirect.gather [spmem:s2], $0x80, s9, s21, $0xb8;
	[tilespmem:$0x10620] =	vst v63  }
0x12d: {  	_ = 	snop  }
0x12e: {  	[tilespmem:s24], [sflag:$0x2] =	stream.indirect.gather [spmem:s2], $0x80, s23, s21, $0xb8;
	[tilespmem:$0x10620] =	vst v63  }
0x12f: {  	_ =	swait.ge [sflag:s25], $0x4000  }
0x130: {  	[sflag:s25] =	ssyncset.done $0x0  }
0x131: {  	s12 =	sshll.u32 s4, $0x10;
	[sflag:s25] =	ssyncadd.s32 $0xFFFFC000  }
0x132: {  	s10 =	sadd.s32 s16, s12;
	_ =	swait.ge [sflag:s25], $0x4000  }
0x133: {  	s10 =	sshrl.u32 s10, $0x3;
	[sflag:s25] =	ssyncset.done $0x0  }
0x134: {  	s10 =	sadd.s32 s1, s10;
	[sflag:s25] =	ssyncadd.s32 $0xFFFFC000  }
0x135: {  	[hbm4b:s10+s11] =	stream.linear.scatter [tilespmem:s22], [sflag:$0x3], $0x8000, $0x38;
	[tilespmem:$0x10620] =	vst v63  }
0x136: {  	_ =	swait.ge [sflag:s20], $0x200  }
0x137: {  	[sflag:s20] =	ssyncset.done $0x0  }
0x138: {  	[sflag:s20] =	ssyncadd.s32 $0xFFFFFE00  }
0x139: {  	_ =	swait.ge [sflag:s20], $0x200  }
0x13a: {  	[sflag:s20] =	ssyncset.done $0x0  }
0x13b: {  	s10 =	simm.s32 $0x0;
	[sflag:s20] =	ssyncadd.s32 $0xFFFFFE00  }
0x13c: {  	v2 =	vld [tilespmem:s10+$0x200]  }
0x13d: {  	v3 =	vld [tilespmem:s10+$0x0]  }
0x13e: {  	v4 =	vld [tilespmem:s10+$0x10]  }
0x13f: {  	v5 =	vld [tilespmem:s10+$0x210];
	_ =	sdelay $0x3  }
0x140: {  	v3 =	vshll.u32 v3, $0x1;
	v4 =	vshll.u32 v4, $0x1  }
0x141: {  	v2 =	vadd.s32 v3, v2;
	v3 =	vadd.s32 v4, v5  }
0x142: {  	v4 =	vperm.xlane v2, v0;
	v5 =	vperm.xlane v3, v0;
	_ =	sdelay $0x1  }
0x143: {  	v2 =	vperm.xlane v2, v1;
	v3 =	vperm.xlane v3, v1;
	v4 =	vsel vm0, v4, v5  }
0x144: {  	v4 =	vmul.u32 $0x6, v4  }
0x145: {  	v2 =	vsel vm0, v2, v3  }
0x146: {  	v2 =	vadd.s32 v4, v2  }
0x147: {  	s12 =	simm.s32 $0x20;
	[tilespmem:s9+$0x0] =	vst v2  }
0x148: {  	v2 =	vld [tilespmem:s12+$0x200]  }
0x149: {  	s11 =	simm.s32 $0x100;
	v3 =	vld [tilespmem:s12+$0x0]  }
.LBB2_15:
0x14a: {  	p1 =	sne.s32 s11, $0x380;
	v4 =	vld [tilespmem:s12+$0x10]  }
0x14b: {  	v5 =	vld [tilespmem:s12+$0x210];
	_ =	sdelay $0x3  }
0x14c: {  	v3 =	vshll.u32 v3, $0x1;
	v4 =	vshll.u32 v4, $0x1  }
0x14d: {  	v2 =	vadd.s32 v3, v2;
	v3 =	vadd.s32 v4, v5  }
0x14e: {  	v4 =	vperm.xlane v2, v0;
	v5 =	vperm.xlane v3, v0;
	_ =	sdelay $0x1  }
0x14f: {  	v2 =	vperm.xlane v2, v1;
	v3 =	vperm.xlane v3, v1;
	v4 =	vsel vm0, v4, v5  }
0x150: {  	v4 =	vmul.u32 $0x6, v4  }
.Ltmp6:
0x151: {  	v2 =	vsel vm0, v2, v3;
	(pc) =	sbr.rel @p1 .LBB2_15-.Ltmp6, $4  }
0x152: {  	s9 =	sadd.s32 $0x10, s9;
	v2 =	vadd.s32 v4, v2  }
0x153: {  	s12 =	sshra.s32 s11, $0x2;
	[tilespmem:s9+$0x0] =	vst v2  }
0x154: {  	v2 =	vld [tilespmem:s12+$0x200]  }
0x155: {  	s11 =	sadd.s32 $0x80, s11;
	v3 =	vld [tilespmem:s12+$0x0]  }
0x156: {  	v4 =	vld [tilespmem:s12+$0x10]  }
0x157: {  	v5 =	vld [tilespmem:s12+$0x210];
	_ =	sdelay $0x3  }
0x158: {  	v3 =	vshll.u32 v3, $0x1;
	v4 =	vshll.u32 v4, $0x1  }
0x159: {  	v2 =	vadd.s32 v3, v2;
	v3 =	vadd.s32 v4, v5  }
0x15a: {  	v4 =	vperm.xlane v2, v0;
	v5 =	vperm.xlane v3, v0;
	_ =	sdelay $0x1  }
0x15b: {  	v2 =	vperm.xlane v2, v1;
	v3 =	vperm.xlane v3, v1;
	v4 =	vsel vm0, v4, v5  }
0x15c: {  	v4 =	vmul.u32 $0x6, v4  }
0x15d: {  	v2 =	vsel vm0, v2, v3  }
0x15e: {  	s9 =	sadd.s32 $0x10, s9;
	v2 =	vadd.s32 v4, v2  }
0x15f: {  	[tilespmem:s9+$0x0] =	vst v2  }
0x160: {  	v2 =	vld [tilespmem:s10+$0x300]  }
0x161: {  	v3 =	vld [tilespmem:s10+$0x100]  }
0x162: {  	v4 =	vld [tilespmem:s10+$0x110]  }
0x163: {  	v5 =	vld [tilespmem:s10+$0x310];
	_ =	sdelay $0x3  }
0x164: {  	v3 =	vshll.u32 v3, $0x1;
	v4 =	vshll.u32 v4, $0x1  }
0x165: {  	v2 =	vadd.s32 v3, v2;
	v3 =	vadd.s32 v4, v5  }
0x166: {  	v4 =	vperm.xlane v2, v0;
	v5 =	vperm.xlane v3, v0;
	_ =	sdelay $0x1  }
0x167: {  	v2 =	vperm.xlane v2, v1;
	v3 =	vperm.xlane v3, v1;
	v4 =	vsel vm0, v4, v5  }
0x168: {  	v4 =	vmul.u32 $0x6, v4  }
0x169: {  	v2 =	vsel vm0, v2, v3  }
0x16a: {  	s9 =	simm.s32 $0x480;
	v2 =	vadd.s32 v4, v2  }
0x16b: {  	s11 =	simm.s32 $0x20;
	[tilespmem:s9+$0x0] =	vst v2  }
0x16c: {  	v2 =	vld [tilespmem:s11+$0x300]  }
0x16d: {  	s10 =	simm.s32 $0x100;
	v3 =	vld [tilespmem:s11+$0x100]  }
.LBB2_17:
0x16e: {  	p1 =	sne.s32 s10, $0x380;
	v4 =	vld [tilespmem:s11+$0x110]  }
0x16f: {  	v5 =	vld [tilespmem:s11+$0x310];
	_ =	sdelay $0x3  }
0x170: {  	v3 =	vshll.u32 v3, $0x1;
	v4 =	vshll.u32 v4, $0x1  }
0x171: {  	v2 =	vadd.s32 v3, v2;
	v3 =	vadd.s32 v4, v5  }
0x172: {  	v4 =	vperm.xlane v2, v0;
	v5 =	vperm.xlane v3, v0;
	_ =	sdelay $0x1  }
0x173: {  	v2 =	vperm.xlane v2, v1;
	v3 =	vperm.xlane v3, v1;
	v4 =	vsel vm0, v4, v5  }
0x174: {  	v4 =	vmul.u32 $0x6, v4  }
.Ltmp7:
0x175: {  	v2 =	vsel vm0, v2, v3;
	(pc) =	sbr.rel @p1 .LBB2_17-.Ltmp7, $4  }
0x176: {  	s9 =	sadd.s32 $0x10, s9;
	v2 =	vadd.s32 v4, v2  }
0x177: {  	s11 =	sshra.s32 s10, $0x2;
	[tilespmem:s9+$0x0] =	vst v2  }
0x178: {  	v2 =	vld [tilespmem:s11+$0x300]  }
0x179: {  	s10 =	sadd.s32 $0x80, s10;
	v3 =	vld [tilespmem:s11+$0x100]  }
0x17a: {  	v4 =	vld [tilespmem:s11+$0x110]  }
0x17b: {  	v5 =	vld [tilespmem:s11+$0x310];
	_ =	sdelay $0x3  }
0x17c: {  	v3 =	vshll.u32 v3, $0x1;
	v4 =	vshll.u32 v4, $0x1  }
0x17d: {  	v2 =	vadd.s32 v3, v2;
	v3 =	vadd.s32 v4, v5  }
0x17e: {  	v63 =	vperm.xlane v2, v0;
	v5 =	vperm.xlane v3, v0  }
0x17f: {  	s10 =	sshll.u32 s4, $0x9  }
0x180: {  	p1 =	seq.s32 s4, $0x63;
	s10 =	sadd.s32 $0x200, s10;
	v2 =	vperm.xlane v2, v1;
	v3 =	vperm.xlane v3, v1;
	v4 =	vsel vm0, v63, v5  }
0x181: {  	s10 =	simm.s32 @p1 $0x0;
	v4 =	vmul.u32 $0x6, v4  }
0x182: {  	s10 =	sadd.s32 s5, s10;
	v2 =	vsel vm0, v2, v3  }
0x183: {  	s9 =	sadd.s32 $0x10, s9;
	s10 =	sshrl.u32 s10, $0x2;
	v2 =	vadd.s32 v4, v2  }
0x184: {  	s11 =	sadd.s32 s6, s10;
	[tilespmem:s9+$0x0] =	vst v2  }
0x185: {  	[tilespmem:s3], [sflag:$0x1] =	stream.linear.gather [hbm4b:s11+s3], $0x200, $0x38;
	[tilespmem:$0x10620] =	vst v63  }
0x186: {  	s12 =	sadd.s32 s7, s10  }
0x187: {  	[tilespmem:s19], [sflag:$0x1] =	stream.linear.gather [hbm4b:s12+s3], $0x200, $0x38;
	[tilespmem:$0x10620] =	vst v63  }
0x188: {  	_ =	swait.ge [sflag:s31], $0x8000  }
0x189: {  	[sflag:s31] =	ssyncset.done $0x0  }
0x18a: {  	[sflag:s31] =	ssyncadd.s32 $0xFFFF8000  }
0x18b: {  	[tilespmem:s28], [sflag:$0x2] =	stream.indirect.gather [spmem:s2], $0x80, s26, s21, $0xb8;
	[tilespmem:$0x10620] =	vst v63  }
0x18c: {  	_ = 	snop  }
0x18d: {  	[tilespmem:s29], [sflag:$0x2] =	stream.indirect.gather [spmem:s2], $0x80, s23, s21, $0xb8;
	[tilespmem:$0x10620] =	vst v63  }
0x18e: {  	s4 =	sadd.s32 $0x1, s4;
	_ =	swait.ge [sflag:s25], $0x4000  }
0x18f: {  	p1 =	sne.s32 s4, $0x64;
	[sflag:s25] =	ssyncset.done $0x0  }
.Ltmp8:
0x190: {  	s8 =	sshll.u32 s8, $0xF;
	[sflag:s25] =	ssyncadd.s32 $0xFFFFC000;
	(pc) =	sbr.rel @p1 .LBB2_10-.Ltmp8, $4  }
0x191: {  	s8 =	sadd.s32 s16, s8;
	_ =	swait.ge [sflag:s25], $0x4000  }
0x192: {  	s8 =	sshrl.u32 s8, $0x3;
	[sflag:s25] =	ssyncset.done $0x0  }
0x193: {  	s8 =	sadd.s32 s1, s8;
	[sflag:s25] =	ssyncadd.s32 $0xFFFFC000  }
0x194: {  	[hbm4b:s8+s3] =	stream.linear.scatter [tilespmem:s28], [sflag:$0x4], $0x8000, $0x38;
	[tilespmem:$0x10620] =	vst v63  }
0x195: {  	_ =	swait.ge [sflag:s20], $0x200  }
0x196: {  	[sflag:s20] =	ssyncset.done $0x0  }
0x197: {  	[sflag:s20] =	ssyncadd.s32 $0xFFFFFE00  }
0x198: {  	_ =	swait.ge [sflag:s20], $0x200  }
0x199: {  	[sflag:s20] =	ssyncset.done $0x0  }
0x19a: {  	s0 =	sadd.s32 $0x1, s0;
	[sflag:s20] =	ssyncadd.s32 $0xFFFFFE00  }
0x19b: {  	p1 =	sne.s32 s0, s17;
	_ =	swait.ge [sflag:s30], $0x8000  }
.Ltmp9:
0x19c: {  	[sflag:s30] =	ssyncset.done $0x0;
	(pc) =	sbr.rel @p1 .LBB2_1-.Ltmp9, $4  }
0x19d: {  	[sflag:s30] =	ssyncadd.s32 $0xFFFF8000  }
0x19e: {  	_ =	swait.ge [sflag:s31], $0x8000  }
0x19f: {  	[sflag:s31] =	ssyncset.done $0x0  }
0x1a0: {  	[sflag:s31] =	ssyncadd.s32 $0xFFFF8000  }
0x1a1: {  	_ =	sfence.sel $0x180000  }
0x1a2: {  	[bflag:$0x0] =	sbarrier.arrive $0xFFFF  }
0x1a3: {  	_ =	strace $0x90000047  }
0x1a4: {  	[bflag:$0x2] =	sbarrier.arrive $0xFFFF  }
0x1a5: {  	s0 =	rddreg [dreg:$0x3]  }
0x1a6: {  	s0 =	sadd.s32 @!p0 $0x100000, s0  }
0x1a7: {  	[sflag:s0] =	ssyncadd.tile.s32 @!p0 $0x1;
	_ =	shalt  }
.Lfunc_end2:
_tile_overlayer_lowered:
.L_overlay_start_2:
0x1a8: {  	(tag) =	ssettag $0x2  }
0x1a9: {  	s0 =	rddreg [dreg:$0x0];
	s2 =	stileid.u32  }
0x1aa: {  	s1 =	rddreg [dreg:$0x1];
	p0 =	sne.s32 s2, $0x0  }
0x1ab: {  	s3 =	rddreg [dreg:$0x2];
	[bflag:$0x3] =	sbarrier.arrive $0xFFFF;
	s2 =	simm.s32 @!p0 $0x1C05  }
0x1ac: {  	[timem:s3], [sflag:s2] =	dma.local @!p0 [hbm:s0], s1  }
0x1ad: {  	s0 =	simm.s32 @!p0 $0x5  }
0x1ae: {  	_ =	swait.ge @!p0 [sflag:s0], s1  }
0x1af: {  	s1 =	ssub.s32 @!p0 $0x0, s1;
	[sflag:s0] =	ssyncset.done @!p0 $0x0  }
0x1b0: {  	[sflag:s0] =	ssyncadd.s32 @!p0 s1  }
0x1b1: {  	[bflag:$0x3] =	sbarrier.arrive $0xFFFF  }
0x1b2: {  	_ =	shalt  }

// kernel: sparse-core-data-format-call.cloned.1.call-start
scs
called_computation_lowered:
.L_overlay_start_0:
0x0: {  	s2 =	sld [smem:$0x3FD9]  }
0x1: {  	s3 =	sld [smem:$0x3FFE];
	_ =	sdelay $0x1  }
0x2: {  	s1 =	srdreg.scid  }
0x3: {  	s0 =	sand.u32 $0x1, s1  }
0x4: {  	s18 =	sshll.u32 s0, $0xA;
	s2 =	sadd.s32 s3, s2  }
0x5: {  	s2 =	sadd.s32 s2, s18  }
0x6: {  	[smem:$0x3FC4] =	sst s2  }
0x7: {  	_ = 	snop  }
0x8: {  	s2 =	sld [smem:$0x3FD0];
	(tm) =	ssettm $0x1  }
0x9: {  	s19 =	sld [smem:$0x3FFB];
	_ =	sdelay $0x3  }
0xa: {  	_ =	strace s19  }
0xb: {  	s3 =	sld [smem:$0x3FFC];
	_ =	sdelay $0x3  }
0xc: {  	_ =	strace s3  }
0xd: {  	s3 =	sld [smem:$0x3FFD];
	_ =	sdelay $0x3  }
0xe: {  	_ =	strace s3  }
0xf: {  	_ =	strace $0x8FFFFFFF  }
0x10: {  	s20 =	sld [smem:$0x3FDB];
	_ =	sdelay $0x1  }
0x11: {  	s4 =	simm.s32 $_scs_section_size  }
0x12: {  	s5 =	simm.s32 $_size__tile_overlayer_lowered;
	s6 =	simm.s32 $_tile_overlayer_lowered  }
0x13: {  	s23 =	simm.s32 $0x1BFF;
	s22 =	sshll.u32 s6, $0x1;
	s3 =	sadd.s32 s4, s20  }
0x14: {  	s7 =	simm.s32 $0x0;
	s21 =	sshll.u32 s5, $0x1;
	s5 =	sadd.s32 s22, s3  }
0x15: {  	[timem:s7], [sflag:s23] =	dma.local [hbm:s5], s21  }
0x16: {  	_ =	swait.ge [sflag:s23], s21  }
0x17: {  	s4 =	ssub.s32 $0x0, s21;
	[sflag:s23] =	ssyncset.done $0x0  }
0x18: {  	[sflag:s23] =	ssyncadd.s32 s4;
	_ =	sdelay $0x1  }
0x19: {  	s24 =	simm.s32 $0x1B8B  }
0x1a: {  	_ =	swait.ge [sflag:s24], $0x1  }
0x1b: {  	[sflag:s24] =	ssyncset.done $0x0  }
0x1c: {  	s26 =	simm.s32 $0x1B8E;
	s25 =	sld [smem:$0x3FFE];
	[sflag:s24] =	ssyncadd.s32 $0xFFFFFFFF  }
0x1d: {  	s27 =	simm.s32 $execute0_lowered;
	[smem:$0x3FD2] =	sst s26  }
0x1e: {  	s5 =	sshll.u32 s27, $0x1;
	_ =	strace $0x80000049;
	[dreg:$0x1] =	wrdreg $0xFFFFFFFF  }
0x1f: {  	s28 =	simm.s32 $_size_execute0_lowered;
	s3 =	sadd.s32 s3, s5;
	[dreg:$0x0] =	wrdreg $0x0  }
0x20: {  	s5 =	sshll.u32 s28, $0x1;
	[dreg:$0x2] =	wrdreg s3  }
0x21: {  	[dreg:$0x3] =	wrdreg s5  }
0x22: {  	[dreg:$0x4] =	wrdreg $0xC0  }
0x23: {  	_ =	task [dreg:s7], $0x5FFFF  }
0x24: {  	[dreg:$0x1] =	wrdreg $0xFFFFFFFF  }
0x25: {  	[dreg:$0x0] =	wrdreg $0x60  }
0x26: {  	[dreg:$0x2] =	wrdreg s25  }
0x27: {  	[dreg:$0x3] =	wrdreg s2  }
0x28: {  	[dreg:$0x4] =	wrdreg $0x9  }
0x29: {  	_ =	task.clear_ibuf [dreg:s7], $0x5FFFF;
	_ =	strace $0x90000049  }
0x2a: {  	s29 =	simm.s32 $0x9;
	_ =	strace $0x8000004B  }
0x2b: {  	_ =	swait.ge [sflag:s29], $0x1  }
0x2c: {  	[sflag:s29] =	ssyncadd.s32 $0xFFFFFFFF  }
0x2d: {  	_ =	strace $0x9000004B  }
0x2e: {  	_ =	sfence  }
0x2f: {  	s30 =	sld [smem:$0x0];
	_ =	sdelay $0x2  }
0x30: {  	s31 =	sshll.u32 s1, $0xD;
	s1 =	sshrl.u32 s1, $0x2  }
0x31: {  	s3 =	sand.u32 $0x4000, s31;
	s1 =	sadd.s32 s1, s30  }
0x32: {  	s0 =	sor.u32 s3, s0;
	s1 =	sshll.u32 s1, $0x11  }
0x33: {  	s0 =	sor.u32 s1, s0  }
0x34: {  	s0 =	sadd.s32 $0x8F2B, s0  }
0x35: {  	[sflag:s0] =	ssyncadd.remote.s32 $0x1  }
0x36: {  	_ =	sfence.sel $0xFFFF  }
0x37: {  	[dreg:$0x0] =	wrdreg $0xFFFFFFFF;
	(pc) =	sbr.abs _section_cstart, $3  }
0x38: {  	[dreg:$0x1] =	wrdreg $0xFFFFFFFF  }
0x39: {  	_ =	task.clear_ibuf [dreg:s7], $0x2FFFF;
	_ =	strace $0x9FFFFFFF  }
0x3a: {  	(tm) =	ssettm $0x7FFFFFFF  }
0x3b: {  	_ =	shalt  }
tec
execute0_lowered:
.L_overlay_start_1:
0x0: {  	(tag) =	ssettag $0x1  }
0x1: {  	s0 =	srdreg.scid  }
0x2: {  	s1 =	sshll.u32 s0, $0x4  }
0x3: {  	s0 =	stileid.u32;
	s1 =	sand.u32 $0x10, s1  }
0x4: {  	s1 =	sor.u32 s0, s1  }
0x5: {  	s6 =	rddreg [dreg:$0x0];
	s4 =	simm.s32 $0x1;
	s2 =	sshll.u32 s1, $0x7  }
0x6: {  	s7 =	simm.s32 $0x2;
	s12 =	simm.s32 $0x0;
	s1 =	ssub.s32 $0x4000, s2  }
0x7: {  	s8 =	simm.s32 $0x20000;
	s13 =	simm.s32 $0x0;
	s3 =	sand.u32 $0xF80, s1  }
0x8: {  	s9 =	simm.s32 $0x0;
	s5 =	sshrl.u32 s1, $0xC;
	p0 =	sne.s32 s3, $0x0  }
.Ltmp0:
0x9: {  	s1 =	rddreg [dreg:$0x2];
	s4 =	simm.s32 @!p0 $0x0;
	(pc) =	sbr.rel .LBB1_1-.Ltmp0, $4  }
0xa: {  	s11 =	simm.s32 $0x0;
	s3 =	rddreg [dreg:$0x1];
	s5 =	sadd.s32 s4, s5  }
0xb: {  	_ =	strace $0x8000004A;
	s4 =	simm.s32 $0x1;
	s5 =	smul.u32 $0xC8, s5  }
0xc: {  	s6 =	sadd.s32 $0x1800, s6;
	s10 =	smov.u32 s2;
	[sflag:s4] =	ssyncpa.u1 $0x0  }
0xd: {  	p0 =	por $0x0, $0x0;
	[sflag:s7] =	ssyncpa.u1 $0x0;
	s7 =	sor.u32 $0x1, s5  }
.LBB1_4:
0xe: {  	s16 =	sshll.u32 s13, $0x3;
	s17 =	sand.u32 $0x78, s13  }
0xf: {  	s30 =	sand.u32 $0x1F800, s13;
	s12 =	sshll.u32 s12, $0x11;
	s16 =	sand.u32 $0x3C00, s16  }
0x10: {  	[tilespmem:s15+$0x810 ss:$0x81] =	vst.msk $0xffff, v2;
	s31 =	sand.u32 $0x7, s13;
	s16 =	sor.u32 s17, s16;
	s17 =	sadd.s32 s3, s30  }
0x11: {  	[tilespmem:s15+$0x1020 ss:$0x81] =	vst.msk $0xffff, v0;
	s13 =	sshll.u32 s31, $0x12;
	s12 =	sadd.s32 s12, s17;
	s16 =	sshrl.u32 s16, $0x3  }
0x12: {  	[tilespmem:s15+$0x0 ss:$0x81] =	vst.msk $0xffff, v1;
	s13 =	sor.u32 $0x400, s13;
	s12 =	sadd.s32 s16, s12  }
0x13: {  	[hbm4b:s12+s13] =	stream.strided.scatter [tilespmem:s14], [sflag:$0x2], $0x2000, s8, s13, $0x20;
	[tilespmem:$0x8080] =	vst v63  }
.LBB1_5:
0x14: {  	s14 =	sadd.s32 $0x1, s9  }
0x15: {  	s12 =	sadd.s32 $0x1000, s10;
	s16 =	smov.u32 s10;
	p2 =	sgt.s32 s14, $0xC7  }
0x16: {  	s16 =	smov.u32 @p2 s12  }
0x17: {  	s14 =	simm.s32 @p2 $0x0;
	p2 =	sgt.s32 s16, $0x3FFF  }
0x18: {  	s16 =	smov.u32 @p2 s2;
	p2 =	sne.s32 s11, s7  }
.Ltmp1:
0x19: {  	p1 =	slt.u32 s11, $0x2;
	(pc) =	sbr.rel @!p2 .LBB1_6-.Ltmp1, $4  }
0x1a: {  	s15 =	simm.s32 @!p1 $0x2  }
0x1b: {  	s13 =	smov.u32 s10;
	p0 =	por !p0, !p0;
	_ =	swait.ge @!p1 [sflag:s15], $0x2000  }
0x1c: {  	s12 =	smov.u32 s9;
	[sflag:s15] =	ssyncset.done @!p1 $0x0;
	s9 =	smov.u32 s14  }
0x1d: {  	s11 =	sadd.s32 $0x1, s11;
	[sflag:s15] =	ssyncadd.s32 @!p1 $0xFFFFE000;
	s10 =	smov.u32 s16  }
.LBB1_1:
0x1e: {  	p1 =	sge.u32 s11, s5  }
0x1f: {  	s14 =	sand.u32 @!p1 $0x1FFFFFF, s9  }
0x20: {  	s15 =	smulhi.u32 @!p1 $0x147AE15, s14;
	_ =	sdelay $0x1  }
0x21: {  	s15 =	smul.u32 @!p1 $0xC8, s15  }
0x22: {  	s16 =	sxor.u32 @!p1 $0xFFFFFFFF, s11;
	s17 =	smul.u32 @!p1 $0xC80, s10  }
0x23: {  	s31 =	sadd.s32 $0xFFFFFFFF, s11;
	s16 =	sshll.u32 @!p1 s16, $0xD;
	s14 =	ssub.s32 @!p1 s14, s15  }
0x24: {  	s15 =	sand.u32 @!p1 $0x2000, s16;
	s16 =	sadd.s32 @!p1 s6, s17;
	s14 =	sshll.u32 @!p1 s14, $0x4  }
0x25: {  	s17 =	simm.s32 @!p1 $0x6400;
	s14 =	sadd.s32 @!p1 s14, s16;
	s16 =	simm.s32 @!p1 $0x40  }
0x26: {  	[tilespmem:s15], [sflag:$0x1] =	stream.strided.gather @!p1 [hbm4b:s14+s16], $0x2000, s17, s16, $0x38;
	[tilespmem:$0x8080] =	vst v63  }
0x27: {  	p1 =	sge.u32 s31, s5  }
.Ltmp2:
0x28: {  	_ = 	snop;
	(pc) =	sbr.rel @p1 .LBB1_5-.Ltmp2, $1  }
0x29: {  	_ =	sdelay $0x3  }
0x2a: {  	s14 =	simm.s32 $0x1  }
0x2b: {  	_ =	swait.ge [sflag:s4], $0x2000;
	s14 =	simm.s32 @!p0 $0x0  }
0x2c: {  	[sflag:s4] =	ssyncset.done $0x0;
	s15 =	sshll.u32 s14, $0xD  }
0x2d: {  	[sflag:s4] =	ssyncadd.s32 $0xFFFFE000;
	s18 =	sor.u32 $0x20, s15  }
0x2e: {  	s14 =	smul.u32 $0x8100, s14;
	v3 =	vld [tilespmem:s18+$0x10]  }
0x2f: {  	s30 =	sand.u32 $0x1, s11;
	v2 =	vld [tilespmem:s18+$0xFFFFFFF0]  }
0x30: {  	s15 =	smul.u32 $0x8100, s30;
	s14 =	sshrl.u32 s14, $0x2;
	v0 =	vld [tilespmem:s18+$0x0]  }
0x31: {  	v1 =	vld [tilespmem:s18+$0xFFFFFFE0];
	s16 =	sor.u32 $0x4000, s14  }
0x32: {  	s31 =	sshrl.u32 s15, $0x2;
	s15 =	sadd.s32 $0x0, s16  }
0x33: {  	s17 =	simm.s32 $0x4;
	s18 =	sadd.s32 $0x40, s18;
	s14 =	sor.u32 $0x4000, s31;
	[tilespmem:s15+$0x1830 ss:$0x81] =	vst.msk $0xffff, v3  }
.LBB1_3:
0x34: {  	v3 =	vld [tilespmem:s18+$0x10];
	p1 =	sne.s32 s17, $0x1FC;
	[tilespmem:s15+$0x810 ss:$0x81] =	vst.msk $0xffff, v2;
	s19 =	smov.u32 s17;
	s17 =	sadd.s32 $0x4, s17  }
.Ltmp3:
0x35: {  	v2 =	vld [tilespmem:s18+$0xFFFFFFF0];
	[tilespmem:s15+$0x1020 ss:$0x81] =	vst.msk $0xffff, v0;
	(pc) =	sbr.rel @p1 .LBB1_3-.Ltmp3, $4  }
0x36: {  	v0 =	vld [tilespmem:s18+$0x0];
	[tilespmem:s15+$0x0 ss:$0x81] =	vst.msk $0xffff, v1  }
0x37: {  	s15 =	sshra.s32 s19, $0x2;
	v1 =	vld [tilespmem:s18+$0xFFFFFFE0]  }
0x38: {  	s15 =	sadd.s32 s15, s16  }
0x39: {  	s18 =	sadd.s32 $0x40, s18;
	[tilespmem:s15+$0x1830 ss:$0x81] =	vst.msk $0xffff, v3  }
.Ltmp4:
0x3a: {  	_ = 	snop;
	(pc) =	sbr.rel .LBB1_4-.Ltmp4, $1  }
0x3b: {  	_ =	sdelay $0x3  }
.LBB1_6:
0x3c: {  	_ =	sfence.sel $0x180000  }
0x3d: {  	s2 =	simm.s32 $0x1;
	[bflag:$0x0] =	sbarrier.arrive $0xFFFF  }
0x3e: {  	s31 =	simm.s32 $0x2;
	[sflag:s2] =	ssyncpa.u1 $0x1  }
0x3f: {  	[sflag:s31] =	ssyncpa.u1 $0x1  }
0x40: {  	p0 =	sne.s32 s0, $0x0;
	_ =	strace $0x9000004A  }
0x41: {  	s0 =	sadd.s32 @!p0 $0x100000, s1;
	[bflag:$0x2] =	sbarrier.arrive $0xFFFF  }
0x42: {  	[sflag:s0] =	ssyncadd.tile.s32 @!p0 $0x1;
	_ =	shalt  }
.Lfunc_end1:
_tile_overlayer_lowered:
.L_overlay_start_2:
0x43: {  	(tag) =	ssettag $0x2  }
0x44: {  	s0 =	rddreg [dreg:$0x0];
	s2 =	stileid.u32  }
0x45: {  	s1 =	rddreg [dreg:$0x1];
	p0 =	sne.s32 s2, $0x0  }
0x46: {  	s3 =	rddreg [dreg:$0x2];
	[bflag:$0x3] =	sbarrier.arrive $0xFFFF;
	s2 =	simm.s32 @!p0 $0x1C01  }
0x47: {  	[timem:s3], [sflag:s2] =	dma.local @!p0 [hbm:s0], s1  }
0x48: {  	s0 =	simm.s32 @!p0 $0x1  }
0x49: {  	_ =	swait.ge @!p0 [sflag:s0], s1  }
0x4a: {  	s1 =	ssub.s32 @!p0 $0x0, s1;
	[sflag:s0] =	ssyncset.done @!p0 $0x0  }
0x4b: {  	[sflag:s0] =	ssyncadd.s32 @!p0 s1  }
0x4c: {  	[bflag:$0x3] =	sbarrier.arrive $0xFFFF  }
0x4d: {  	_ =	shalt  }

</sc_bundles>
